<compile_context>
chip_gen: v7x
topology: tpu7x:2x2x1
jax: 0.10.2.dev20260603
libtpu: 0.0.44.dev20260713+nightly
codegen_flags: <defaults>
</compile_context>

<pallas_src>
import functools

import jax
import jax.numpy as jnp
from jax import lax
from jax.experimental import pallas as pl
from jax.experimental.pallas import tpu as pltpu
from jax.experimental.pallas import tpu_sc as plsc

B = 32
N = 1024
D = 768
F = 192
K = 64
C = 28
CP = 32
NH = 8
DH = D // NH

_f32 = jnp.float32
_i32 = jnp.int32



_SB = 4


def _scorer_body(x_ref, w1_ref, b1_ref, w2r_ref, b2_ref, out_ref):
    xb = x_ref[...].reshape(_SB * N, D).astype(jnp.bfloat16)
    w1b = w1_ref[...].astype(jnp.bfloat16)
    h = jnp.dot(xb, w1b, preferred_element_type=_f32)
    h = jnp.maximum(h + b1_ref[...], 0.0)
    hb = h.astype(jnp.bfloat16).astype(_f32)
    w2b = w2r_ref[...].astype(jnp.bfloat16).astype(_f32)
    s = jnp.sum(hb * w2b, axis=-1) + b2_ref[0, 0]
    out_ref[...] = jax.nn.sigmoid(s).reshape(_SB, 1, N)


def _scores(x, w1, b1r, w2r, b2r):
    return pl.pallas_call(
        _scorer_body,
        grid=(B // _SB,),
        in_specs=[
            pl.BlockSpec((_SB, N, D), lambda b: (b, 0, 0)),
            pl.BlockSpec((D, F), lambda b: (0, 0)),
            pl.BlockSpec((1, F), lambda b: (0, 0)),
            pl.BlockSpec((1, F), lambda b: (0, 0)),
            pl.BlockSpec((1, 1), lambda b: (0, 0)),
        ],
        out_specs=pl.BlockSpec((_SB, 1, N), lambda b: (b, 0, 0)),
        out_shape=jax.ShapeDtypeStruct((B, 1, N), _f32),
    )(x, w1, b1r, w2r, b2r)



def _b16(a):
    return a.astype(jnp.bfloat16)


def _qpre_body(lab_ref, pw_ref, pb_ref, wq_ref, bq_ref, out_ref):
    lf = jnp.dot(_b16(lab_ref[...]), _b16(pw_ref[...]),
                 preferred_element_type=_f32) + pb_ref[...]
    q = jnp.dot(_b16(lf), _b16(wq_ref[...]),
                preferred_element_type=_f32) + bq_ref[...]
    out_ref[...] = jnp.pad(q, ((0, CP - C), (0, 0)))


def _qpre(lab_p, lproj_w, lproj_br, attn_wq, attn_bqr):
    return pl.pallas_call(
        _qpre_body,
        out_shape=jax.ShapeDtypeStruct((CP, D), _f32),
    )(lab_p, lproj_w, lproj_br, attn_wq, attn_bqr)



def _sc_body(scores_hbm, xflat_hbm, sel_hbm, ssel_hbm,
             sv, iv, idxbuf, idxflat, sselv, rows, sem):
    wid = lax.axis_index("s") * 2 + lax.axis_index("c")

    pltpu.sync_copy(scores_hbm.at[wid], sv)

    def bc_step(j, _):
        iv[pl.ds(j * 16, 16)] = lax.bitcast_convert_type(
            sv[pl.ds(j * 16, 16)], _i32)
        return 0
    lax.fori_loop(0, N // 16, bc_step, 0)

    def cnt_gt(t):
        def step(j, acc):
            v = iv[pl.ds(j * 16, 16)]
            return acc + jnp.where(v > t, 1, 0).astype(_i32)
        accv = lax.fori_loop(0, N // 16, step, jnp.zeros((16,), _i32))
        return jnp.sum(accv)

    def bs_step(_, lohi):
        lo, hi = lohi
        mid = lo + (hi - lo) // 2
        c = cnt_gt(mid)
        lo2 = jnp.where(c < K, lo, mid + 1)
        hi2 = jnp.where(c < K, mid, hi)
        return lo2, hi2
    tstar, _ = lax.fori_loop(0, 31, bs_step,
                             (jnp.int32(0), jnp.int32(1 << 30)))

    c1 = cnt_gt(tstar)
    need = K - c1

    def sel_step(j, carry):
        pos, eqseen = carry
        v = iv[pl.ds(j * 16, 16)]
        gt = v > tstar
        eq = v == tstar
        eqrank = eqseen + plsc.cumsum(eq.astype(_i32)) - 1
        m = gt | (eq & (eqrank < need))
        mi = m.astype(_i32)
        outpos = pos + plsc.cumsum(mi) - 1
        idx = lax.iota(_i32, 16) + j * 16
        plsc.store_scatter(idxbuf, [outpos], idx, mask=m)
        return pos + jnp.sum(mi), eqseen + jnp.sum(eq.astype(_i32))
    lax.fori_loop(0, N // 16, sel_step, (jnp.int32(0), jnp.int32(0)))

    def fin_step(t, _):
        iv16 = idxbuf[pl.ds(t * 16, 16)]
        sselv[pl.ds(t * 16, 16)] = plsc.load_gather(sv, [iv16])
        idxflat[pl.ds(t * 16, 16)] = iv16 + wid * N
        return 0
    lax.fori_loop(0, K // 16, fin_step, 0)

    pltpu.async_copy(xflat_hbm.at[idxflat], rows, sem).wait()

    pltpu.sync_copy(rows, sel_hbm.at[wid])
    pltpu.sync_copy(sselv, ssel_hbm.at[wid])


def _topk_gather_sc(scores2d, xflat):
    mesh = plsc.VectorSubcoreMesh(core_axis_name="c", subcore_axis_name="s")
    kern = functools.partial(
        pl.kernel,
        mesh=mesh,
        out_type=[
            jax.ShapeDtypeStruct((B, K, D), _f32),
            jax.ShapeDtypeStruct((B, K), _f32),
        ],
        scratch_types=[
            pltpu.VMEM((N,), _f32),
            pltpu.VMEM((N,), _i32),
            pltpu.VMEM((K,), _i32),
            pltpu.VMEM((K,), _i32),
            pltpu.VMEM((K,), _f32),
            pltpu.VMEM((K, D), _f32),
            pltpu.SemaphoreType.DMA,
        ],
        compiler_params=pltpu.CompilerParams(needs_layout_passes=False),
    )(_sc_body)
    return kern(scores2d, xflat)



def _layernorm(x, g, b):
    m = jnp.mean(x, axis=-1, keepdims=True)
    v = jnp.mean((x - m) ** 2, axis=-1, keepdims=True)
    return (x - m) / jnp.sqrt(v + 1e-5) * g + b


_RB = 8


def _refine_body(sel_ref, ssel_ref, qpre_ref,
                 g0w_ref, g0b_ref, g0g_ref, g0e_ref,
                 g1w_ref, g1b_ref, g1g_ref, g1e_ref,
                 wk_ref, bk_ref, wv_ref, bv_ref, wo_ref, bo_ref,
                 lng_ref, lnb_ref, hw_ref, hb_ref, out_ref):
    gs, adjs = [], []
    for i in range(_RB):
        sc = ssel_ref[i, 0]
        g = sel_ref[i] * sc[:, None]
        nrm = jnp.maximum(jnp.sqrt(jnp.sum(g * g, axis=-1, keepdims=True)),
                          1e-12)
        fn = g / nrm
        fnb = _b16(fn)
        adj = lax.dot_general(fnb, fnb, (((1,), (1,)), ((), ())),
                              preferred_element_type=_f32)
        adjs.append(jax.nn.softmax(adj * 10.0, axis=-1))
        gs.append(g)
    gstk = jnp.concatenate(gs, axis=0)

    for (w_ref, b_ref, ga_ref, be_ref) in ((g0w_ref, g0b_ref, g0g_ref, g0e_ref),
                                           (g1w_ref, g1b_ref, g1g_ref, g1e_ref)):
        gb = _b16(gstk)
        o = jnp.concatenate(
            [jnp.dot(_b16(adjs[i]), gb[i * K:(i + 1) * K],
                     preferred_element_type=_f32) for i in range(_RB)], axis=0)
        o = jnp.dot(_b16(o), _b16(w_ref[...]),
                    preferred_element_type=_f32) + b_ref[...]
        o = jnp.maximum(_layernorm(o, ga_ref[...], be_ref[...]), 0.0)
        gstk = gstk + o

    gb = _b16(gstk)
    km = jnp.dot(gb, _b16(wk_ref[...]), preferred_element_type=_f32) + bk_ref[...]
    vm = jnp.dot(gb, _b16(wv_ref[...]), preferred_element_type=_f32) + bv_ref[...]
    q = qpre_ref[...]

    lane = lax.broadcasted_iota(_i32, (1, D), 1)
    head_of_lane = lane // DH
    qstkb = _b16(jnp.concatenate(
        [q * (head_of_lane == h).astype(_f32) for h in range(NH)], axis=0))
    rowh = lax.broadcasted_iota(_i32, (NH * CP, 1), 0) // CP
    pomask = (rowh == head_of_lane).astype(_f32)

    isc = 1.0 / (DH ** 0.5)
    aos = []
    for i in range(_RB):
        kmi = _b16(km[i * K:(i + 1) * K])
        vmi = _b16(vm[i * K:(i + 1) * K])
        att = lax.dot_general(kmi, qstkb, (((1,), (1,)), ((), ())),
                              preferred_element_type=_f32)
        att = jax.nn.softmax(att * isc, axis=0)
        po = lax.dot_general(_b16(att), vmi, (((0,), (0,)), ((), ())),
                             preferred_element_type=_f32)
        ao = jnp.sum((po * pomask).reshape(NH, CP, D), axis=0)
        aos.append(ao)
    aostk = jnp.concatenate(aos, axis=0)

    aostk = jnp.dot(_b16(aostk), _b16(wo_ref[...]),
                    preferred_element_type=_f32) + bo_ref[...]
    aostk = _layernorm(aostk, lng_ref[...], lnb_ref[...])
    hwb = _b16(hw_ref[...]).astype(_f32)
    logits = jnp.sum(_b16(aostk).astype(_f32) * hwb, axis=-1) + hb_ref[0, 0]
    out_ref[...] = logits.reshape(_RB, 1, CP)


def _refine(sel, ssel3, qpre, g0w, g0b, g0g, g0e, g1w, g1b, g1g, g1e,
            wk, bk, wv, bv, wo, bo, lng, lnb, hw, hb):
    row = lambda b: (0, 0)
    return pl.pallas_call(
        _refine_body,
        grid=(B // _RB,),
        in_specs=[
            pl.BlockSpec((_RB, K, D), lambda b: (b, 0, 0)),
            pl.BlockSpec((_RB, 1, K), lambda b: (b, 0, 0)),
            pl.BlockSpec((CP, D), row),
            pl.BlockSpec((D, D), row), pl.BlockSpec((1, D), row),
            pl.BlockSpec((1, D), row), pl.BlockSpec((1, D), row),
            pl.BlockSpec((D, D), row), pl.BlockSpec((1, D), row),
            pl.BlockSpec((1, D), row), pl.BlockSpec((1, D), row),
            pl.BlockSpec((D, D), row), pl.BlockSpec((1, D), row),
            pl.BlockSpec((D, D), row), pl.BlockSpec((1, D), row),
            pl.BlockSpec((D, D), row), pl.BlockSpec((1, D), row),
            pl.BlockSpec((1, D), row), pl.BlockSpec((1, D), row),
            pl.BlockSpec((1, D), row), pl.BlockSpec((1, 1), row),
        ],
        out_specs=pl.BlockSpec((_RB, 1, CP), lambda b: (b, 0, 0)),
        out_shape=jax.ShapeDtypeStruct((B, 1, CP), _f32),
    )(sel, ssel3, qpre, g0w, g0b, g0g, g0e, g1w, g1b, g1g, g1e,
      wk, bk, wv, bv, wo, bo, lng, lnb, hw, hb)



def kernel(x, label_embeddings, scorer_w1, scorer_b1, scorer_w2, scorer_b2,
           gcn0_w, gcn0_b, gcn0_g, gcn0_be, gcn1_w, gcn1_b, gcn1_g, gcn1_be,
           lproj_w, lproj_b, attn_wq, attn_wk, attn_wv, attn_bq, attn_bk,
           attn_bv, attn_wo, attn_bo, ln_g, ln_b, head_w, head_b):
    r = lambda a: a.reshape(1, -1)

    scores = _scores(x, scorer_w1, r(scorer_b1), scorer_w2.reshape(1, F),
                     scorer_b2.reshape(1, 1))

    qpre = _qpre(label_embeddings, lproj_w, r(lproj_b), attn_wq, r(attn_bq))

    sel, ssel = _topk_gather_sc(scores.reshape(B, N), x.reshape(B * N, D))

    out = _refine(sel, ssel.reshape(B, 1, K), qpre,
                  gcn0_w, r(gcn0_b), r(gcn0_g), r(gcn0_be),
                  gcn1_w, r(gcn1_b), r(gcn1_g), r(gcn1_be),
                  attn_wk, r(attn_bk), attn_wv, r(attn_bv),
                  attn_wo, r(attn_bo), r(ln_g), r(ln_b),
                  head_w.reshape(1, D), head_b.reshape(1, 1))
    return out[:, 0, :C]

# --- scband reference (transcript-rebuilt; emitter-appended) ---
"""Pipeline reference for scband-discriminative-clue-miner-90005334655171 (READ-ONLY COPY).

The authoritative reference and input builder live on the scoring server;
editing this copy changes nothing except your own understanding.
"""

import jax, jax.numpy as jnp
import numpy as np

B = 32
N_PATCH = 1024
VIS_DIM = 768
TEXT_DIM = 1536
NUM_CLASSES = 28
K_PATCHES = 64
N_HEADS = 8


def _layernorm(x, g, b):
    m = jnp.mean(x, axis=-1, keepdims=True)
    v = jnp.mean((x - m) ** 2, axis=-1, keepdims=True)
    return (x - m) / jnp.sqrt(v + 1e-5) * g + b


def _forward(x, label_embeddings, scorer_w1, scorer_b1, scorer_w2, scorer_b2,
             gcn0_w, gcn0_b, gcn0_g, gcn0_be, gcn1_w, gcn1_b, gcn1_g, gcn1_be,
             lproj_w, lproj_b, attn_wq, attn_wk, attn_wv, attn_bq, attn_bk, attn_bv,
             attn_wo, attn_bo, ln_g, ln_b, head_w, head_b):
    Bsz, N, D = x.shape
    # scorer: Linear -> ReLU -> Linear -> Sigmoid
    h = jax.nn.relu(jnp.einsum('bnd,df->bnf', x, scorer_w1) + scorer_b1)
    scores = jax.nn.sigmoid(jnp.einsum('bnf,fo->bno', h, scorer_w2) + scorer_b2)
    s = scores[..., 0]
    # top-k over patches
    topk_scores, topk_idx = jax.lax.top_k(s, K_PATCHES)
    sel = jnp.take_along_axis(x, topk_idx[:, :, None], axis=1)
    sel = sel * topk_scores[:, :, None]
    # similarity adjacency
    nrm = jnp.maximum(jnp.linalg.norm(sel, axis=-1, keepdims=True), 1e-12)
    fn = sel / nrm
    adj = jnp.einsum('bkd,bjd->bkj', fn, fn)
    adj = jax.nn.softmax(adj * 10.0, axis=-1)
    # graph reasoning layers (eval mode: dropout identity)
    g = sel
    for (w, b, ga, be) in ((gcn0_w, gcn0_b, gcn0_g, gcn0_be), (gcn1_w, gcn1_b, gcn1_g, gcn1_be)):
        o = jnp.einsum('bkj,bjd->bkd', adj, g)
        o = jnp.einsum('bkd,de->bke', o, w) + b
        o = jax.nn.relu(_layernorm(o, ga, be))
        g = g + o
    # label projection (label_gcn = Identity)
    lf = label_embeddings @ lproj_w + lproj_b
    q = jnp.broadcast_to(lf[None], (Bsz, NUM_CLASSES, D))
    # multihead cross attention, 8 heads
    dh = D // N_HEADS
    Q = (jnp.einsum('bcd,de->bce', q, attn_wq) + attn_bq).reshape(Bsz, NUM_CLASSES, N_HEADS, dh).transpose(0, 2, 1, 3)
    Kt = (jnp.einsum('bkd,de->bke', g, attn_wk) + attn_bk).reshape(Bsz, K_PATCHES, N_HEADS, dh).transpose(0, 2, 1, 3)
    V = (jnp.einsum('bkd,de->bke', g, attn_wv) + attn_bv).reshape(Bsz, K_PATCHES, N_HEADS, dh).transpose(0, 2, 1, 3)
    att = jax.nn.softmax(jnp.einsum('bhcd,bhkd->bhck', Q, Kt) / jnp.sqrt(float(dh)), axis=-1)
    ao = jnp.einsum('bhck,bhkd->bhcd', att, V).transpose(0, 2, 1, 3).reshape(Bsz, NUM_CLASSES, D)
    ao = jnp.einsum('bcd,de->bce', ao, attn_wo) + attn_bo
    ao = _layernorm(ao, ln_g, ln_b)
    logits_global = jnp.zeros((Bsz, NUM_CLASSES), dtype=x.dtype)
    logits = (jnp.einsum('bcd,do->bco', ao, head_w) + head_b)[..., 0] + jnp.tanh(logits_global) * 2.0
    return logits


def setup_inputs(seed=0):
    key = jax.random.key(seed)
    ks = jax.random.split(key, 30)

    def w(k, shape, s=0.02):
        return jax.random.normal(k, shape, dtype=jnp.float32) * s

    inp = {
        'x': jax.random.normal(ks[0], (B, N_PATCH, VIS_DIM), dtype=jnp.float32),
        'label_embeddings': jax.random.normal(ks[1], (NUM_CLASSES, TEXT_DIM), dtype=jnp.float32),
        'scorer_w1': w(ks[2], (VIS_DIM, VIS_DIM // 4)),
        'scorer_b1': w(ks[3], (VIS_DIM // 4,)),
        'scorer_w2': w(ks[4], (VIS_DIM // 4, 1)),
        'scorer_b2': w(ks[5], (1,)),
        'gcn0_w': w(ks[6], (VIS_DIM, VIS_DIM)),
        'gcn0_b': w(ks[7], (VIS_DIM,)),
        'gcn0_g': jnp.ones((VIS_DIM,), jnp.float32),
        'gcn0_be': jnp.zeros((VIS_DIM,), jnp.float32),
        'gcn1_w': w(ks[8], (VIS_DIM, VIS_DIM)),
        'gcn1_b': w(ks[9], (VIS_DIM,)),
        'gcn1_g': jnp.ones((VIS_DIM,), jnp.float32),
        'gcn1_be': jnp.zeros((VIS_DIM,), jnp.float32),
        'lproj_w': w(ks[10], (TEXT_DIM, VIS_DIM)),
        'lproj_b': w(ks[11], (VIS_DIM,)),
        'attn_wq': w(ks[12], (VIS_DIM, VIS_DIM)),
        'attn_wk': w(ks[13], (VIS_DIM, VIS_DIM)),
        'attn_wv': w(ks[14], (VIS_DIM, VIS_DIM)),
        'attn_bq': w(ks[15], (VIS_DIM,)),
        'attn_bk': w(ks[16], (VIS_DIM,)),
        'attn_bv': w(ks[17], (VIS_DIM,)),
        'attn_wo': w(ks[18], (VIS_DIM, VIS_DIM)),
        'attn_bo': w(ks[19], (VIS_DIM,)),
        'ln_g': jnp.ones((VIS_DIM,), jnp.float32),
        'ln_b': jnp.zeros((VIS_DIM,), jnp.float32),
        'head_w': w(ks[20], (VIS_DIM, 1)),
        'head_b': w(ks[21], (1,)),
    }
    return inp


def reference(x, label_embeddings, scorer_w1, scorer_b1, scorer_w2, scorer_b2,
              gcn0_w, gcn0_b, gcn0_g, gcn0_be, gcn1_w, gcn1_b, gcn1_g, gcn1_be,
              lproj_w, lproj_b, attn_wq, attn_wk, attn_wv, attn_bq, attn_bk, attn_bv,
              attn_wo, attn_bo, ln_g, ln_b, head_w, head_b):
    return _forward(x, label_embeddings, scorer_w1, scorer_b1, scorer_w2, scorer_b2,
                    gcn0_w, gcn0_b, gcn0_g, gcn0_be, gcn1_w, gcn1_b, gcn1_g, gcn1_be,
                    lproj_w, lproj_b, attn_wq, attn_wk, attn_wv, attn_bq, attn_bk, attn_bv,
                    attn_wo, attn_bo, ln_g, ln_b, head_w, head_b)

if __name__ == "__main__":
    import jax
    _d = setup_inputs()
    print(jax.jit(kernel)(*tuple(_d.values())))

</pallas_src>

<mosaic_0001>
#map = affine_map<(d0, d1) -> (0, 0)>
#map1 = affine_map<(d0, d1) -> (0, 0, 0)>
module attributes {stable_mosaic.version = 14 : i64} {
  func.func @_sc_body(%arg0: i32, %arg1: i32, %arg2: memref<32x1024xf32, #tpu.memory_space<hbm>>, %arg3: memref<32768x768xf32, #tpu.memory_space<hbm>>, %arg4: memref<32x64x768xf32, #tpu.memory_space<hbm>>, %arg5: memref<32x64xf32, #tpu.memory_space<hbm>>, %arg6: memref<1024xf32, #tpu.memory_space<vmem>>, %arg7: memref<1024xi32, #tpu.memory_space<vmem>>, %arg8: memref<64xi32, #tpu.memory_space<vmem>>, %arg9: memref<64xi32, #tpu.memory_space<vmem>>, %arg10: memref<64xf32, #tpu.memory_space<vmem>>, %arg11: memref<64x768xf32, #tpu.memory_space<vmem>>, %arg12: memref<!tpu.dma_semaphore, #tpu.memory_space<semaphore_mem>>) attributes {dimension_semantics = [#tpu.dimension_semantics<core_parallel>, #tpu.dimension_semantics<subcore_parallel>], iteration_bounds = array<i64: 2, 16>, scalar_prefetch = 0 : i64, scratch_operands = 7 : i64, tpu.core_type = #tpu.core_type<sc_vector_subcore>, window_params = [{transform_indices = #map}, {transform_indices = #map}, {transform_indices = #map1}, {transform_indices = #map}]} {
    %mul3A = arith.constant 2 : i32
    %mul3A_0 = arith.muli %arg1, %mul3A : i32
    %add3A = arith.addi %mul3A_0, %arg0 : i32
    "tpu.region"() ({
      %run_scoped3A = tpu.sem_alloc : memref<!tpu.dma_semaphore, #tpu.memory_space<semaphore_mem>>
      %dma_start3A_45 = arith.constant 0 : i32
      %dma_start3A_46 = tpu.memref_slice %arg2[%add3A, %dma_start3A_45] : memref<32x1024xf32, #tpu.memory_space<hbm>> -> memref<1x1024xf32, #tpu.memory_space<hbm>>
      %dma_start3A_47 = tpu.memref_squeeze %dma_start3A_46 : memref<1x1024xf32, #tpu.memory_space<hbm>> -> memref<1024xf32, #tpu.memory_space<hbm>>
      %dma_start3A_48 = arith.constant 0 : i32
      %dma_start3A_49 = tpu.memref_slice %arg2[%add3A, %dma_start3A_48] : memref<32x1024xf32, #tpu.memory_space<hbm>> -> memref<1x1024xf32, #tpu.memory_space<hbm>>
      %dma_start3A_50 = tpu.memref_squeeze %dma_start3A_49 : memref<1x1024xf32, #tpu.memory_space<hbm>> -> memref<1024xf32, #tpu.memory_space<hbm>>
      tpu.enqueue_dma source(%dma_start3A_50 : memref<1024xf32, #tpu.memory_space<hbm>>) target(%arg6 : memref<1024xf32, #tpu.memory_space<vmem>>) target_semaphore(%run_scoped3A : memref<!tpu.dma_semaphore, #tpu.memory_space<semaphore_mem>>)
      %dma_wait3A_51 = arith.constant 0 : i32
      %dma_wait3A_52 = tpu.memref_slice %arg2[%add3A, %dma_wait3A_51] : memref<32x1024xf32, #tpu.memory_space<hbm>> -> memref<1x1024xf32, #tpu.memory_space<hbm>>
      %dma_wait3A_53 = tpu.memref_squeeze %dma_wait3A_52 : memref<1x1024xf32, #tpu.memory_space<hbm>> -> memref<1024xf32, #tpu.memory_space<hbm>>
      %dma_wait3A_54 = arith.constant 0 : i32
      %dma_wait3A_55 = tpu.memref_slice %arg2[%add3A, %dma_wait3A_54] : memref<32x1024xf32, #tpu.memory_space<hbm>> -> memref<1x1024xf32, #tpu.memory_space<hbm>>
      %dma_wait3A_56 = tpu.memref_squeeze %dma_wait3A_55 : memref<1x1024xf32, #tpu.memory_space<hbm>> -> memref<1024xf32, #tpu.memory_space<hbm>>
      tpu.wait_dma2 semaphore(%run_scoped3A : memref<!tpu.dma_semaphore, #tpu.memory_space<semaphore_mem>>) src(%dma_wait3A_56 : memref<1024xf32, #tpu.memory_space<hbm>>) dst(%arg6 : memref<1024xf32, #tpu.memory_space<vmem>>)
      tpu.yield
    }) : () -> ()
    %scan3A = arith.constant 0 : i32
    %scan3A_1 = arith.constant 0 : i32
    %scan3A_2 = arith.constant 64 : i32
    %scan3A_3 = arith.addi %scan3A_1, %scan3A_2 : i32
    %scan3A_4 = arith.constant 1 : i32
    %scan3A_5 = scf.for %scan3A_45 = %scan3A_1 to %scan3A_3 step %scan3A_4 iter_args(%scan3A_46 = %scan3A) -> (i32)  : i32 {
      %mul3A_47 = arith.constant 16 : i32
      %mul3A_48 = arith.muli %scan3A_45, %mul3A_47 : i32
      %get3A = arith.index_cast %mul3A_48 : i32 to index
      %get3A_49 = tpu.vector_load %arg6[%get3A] {strides = array<i32>} : memref<1024xf32, #tpu.memory_space<vmem>>, vector<16xf32>,
      %bitcast_convert_type3A = tpu.bitcast %get3A_49 : vector<16xf32> -> vector<16xi32>
      %mul3A_50 = arith.constant 16 : i32
      %mul3A_51 = arith.muli %scan3A_45, %mul3A_50 : i32
      %swap3A = arith.index_cast %mul3A_51 : i32 to index
      %swap3A_52 = tpu.vector_load %arg7[%swap3A] {strides = array<i32>} : memref<1024xi32, #tpu.memory_space<vmem>>, vector<16xi32>,
      tpu.vector_store %arg7[%swap3A], %bitcast_convert_type3A {strides = array<i32>} : memref<1024xi32, #tpu.memory_space<vmem>>, vector<16xi32>,
      %scan3A_53 = arith.constant 0 : i32
      scf.yield %scan3A_53 : i32
    }
    %scan3A_6 = arith.constant 64 : i32
    %scan3A_7 = arith.constant 0 : i32
    %scan3A_8 = arith.constant 1073741824 : i32
    %scan3A_9 = arith.constant 0 : i32
    %scan3A_10 = arith.constant 31 : i32
    %scan3A_11 = arith.addi %scan3A_9, %scan3A_10 : i32
    %scan3A_12 = arith.constant 1 : i32
    %scan3A_13:2 = scf.for %scan3A_45 = %scan3A_9 to %scan3A_11 step %scan3A_12 iter_args(%scan3A_46 = %scan3A_7, %scan3A_47 = %scan3A_8) -> (i32, i32)  : i32 {
      %sub3A_48 = arith.subi %scan3A_47, %scan3A_46 : i32
      %jit3A = arith.constant 2 : i32
      %div3A = arith.divsi %sub3A_48, %jit3A : i32
      %sign3A = arith.constant 0 : i32
      %sign3A_49 = arith.cmpi sgt, %sub3A_48, %sign3A : i32
      %sign3A_50 = arith.extui %sign3A_49 : i1 to i32
      %sign3A_51 = arith.constant 0 : i32
      %sign3A_52 = arith.cmpi slt, %sub3A_48, %sign3A_51 : i32
      %sign3A_53 = arith.extui %sign3A_52 : i1 to i32
      %sign3A_54 = arith.subi %sign3A_50, %sign3A_53 : i32
      %sign3A_55 = arith.constant 0 : i32
      %sign3A_56 = arith.cmpi sgt, %jit3A, %sign3A_55 : i32
      %sign3A_57 = arith.extui %sign3A_56 : i1 to i32
      %sign3A_58 = arith.constant 0 : i32
      %sign3A_59 = arith.cmpi slt, %jit3A, %sign3A_58 : i32
      %sign3A_60 = arith.extui %sign3A_59 : i1 to i32
      %sign3A_61 = arith.subi %sign3A_57, %sign3A_60 : i32
      %ne3A = arith.cmpi ne, %sign3A_54, %sign3A_61 : i32
      %rem3A = arith.remsi %sub3A_48, %jit3A : i32
      %ne3A_62 = arith.constant 0 : i32
      %ne3A_63 = arith.cmpi ne, %rem3A, %ne3A_62 : i32
      %and3A = arith.andi %ne3A, %ne3A_63 : i1
      %sub3A_64 = arith.constant 1 : i32
      %sub3A_65 = arith.subi %div3A, %sub3A_64 : i32
      %select_n3A = arith.select %and3A, %sub3A_65, %div3A : i32
      %add3A_66 = arith.addi %scan3A_46, %select_n3A : i32
      %broadcast_in_dim3A_67 = arith.constant 0 : i32
      %broadcast_in_dim3A_68 = vector.broadcast %broadcast_in_dim3A_67 : i32 to vector<16xi32>
      %scan3A_69 = arith.constant 0 : i32
      %scan3A_70 = arith.constant 64 : i32
      %scan3A_71 = arith.addi %scan3A_69, %scan3A_70 : i32
      %scan3A_72 = arith.constant 1 : i32
      %scan3A_73 = scf.for %scan3A_86 = %scan3A_69 to %scan3A_71 step %scan3A_72 iter_args(%scan3A_87 = %broadcast_in_dim3A_68) -> (vector<16xi32>)  : i32 {
        %mul3A_88 = arith.constant 16 : i32
        %mul3A_89 = arith.muli %scan3A_86, %mul3A_88 : i32
        %get3A = arith.index_cast %mul3A_89 : i32 to index
        %get3A_90 = tpu.vector_load %arg7[%get3A] {strides = array<i32>} : memref<1024xi32, #tpu.memory_space<vmem>>, vector<16xi32>,
        %gt3A = vector.broadcast %add3A_66 : i32 to vector<16xi32>
        %gt3A_91 = arith.cmpi sgt, %get3A_90, %gt3A : vector<16xi32>
        %jit3A_92 = arith.constant 1 : i32
        %jit3A_93 = arith.constant 0 : i32
        %broadcast_in_dim3A_94 = vector.broadcast %jit3A_92 : i32 to vector<16xi32>
        %broadcast_in_dim3A_95 = vector.broadcast %jit3A_93 : i32 to vector<16xi32>
        %select_n3A_96 = arith.select %gt3A_91, %broadcast_in_dim3A_94, %broadcast_in_dim3A_95 : vector<16xi1>, vector<16xi32>
        %add3A_97 = arith.addi %scan3A_87, %select_n3A_96 : vector<16xi32>
        scf.yield %add3A_97 : vector<16xi32>
      }
      %scan3A_74 = arith.constant 64 : i32
      %reduce_sum3A_75 = arith.constant true
      %reduce_sum3A_76 = vector.broadcast %reduce_sum3A_75 : i1 to vector<16xi1>
      %reduce_sum3A_77 = tpu.scan <sum>, %scan3A_73 masked %reduce_sum3A_76 : vector<16xi32>, vector<16xi1> -> vector<16xi32>
      %reduce_sum3A_78 = vector.extract %reduce_sum3A_77[15] : i32 from vector<16xi32>
      %lt3A = arith.constant 64 : i32
      %lt3A_79 = arith.cmpi slt, %reduce_sum3A_78, %lt3A : i32
      %add3A_80 = arith.constant 1 : i32
      %add3A_81 = arith.addi %add3A_66, %add3A_80 : i32
      %select_n3A_82 = arith.select %lt3A_79, %scan3A_46, %add3A_81 : i32
      %lt3A_83 = arith.constant 64 : i32
      %lt3A_84 = arith.cmpi slt, %reduce_sum3A_78, %lt3A_83 : i32
      %select_n3A_85 = arith.select %lt3A_84, %add3A_66, %scan3A_47 : i32
      scf.yield %select_n3A_82, %select_n3A_85 : i32, i32
    }
    %scan3A_14 = arith.constant 31 : i32
    %broadcast_in_dim3A = arith.constant 0 : i32
    %broadcast_in_dim3A_15 = vector.broadcast %broadcast_in_dim3A : i32 to vector<16xi32>
    %scan3A_16 = arith.constant 0 : i32
    %scan3A_17 = arith.constant 64 : i32
    %scan3A_18 = arith.addi %scan3A_16, %scan3A_17 : i32
    %scan3A_19 = arith.constant 1 : i32
    %scan3A_20 = scf.for %scan3A_45 = %scan3A_16 to %scan3A_18 step %scan3A_19 iter_args(%scan3A_46 = %broadcast_in_dim3A_15) -> (vector<16xi32>)  : i32 {
      %mul3A_47 = arith.constant 16 : i32
      %mul3A_48 = arith.muli %scan3A_45, %mul3A_47 : i32
      %get3A = arith.index_cast %mul3A_48 : i32 to index
      %get3A_49 = tpu.vector_load %arg7[%get3A] {strides = array<i32>} : memref<1024xi32, #tpu.memory_space<vmem>>, vector<16xi32>,
      %gt3A = vector.broadcast %scan3A_13#0 : i32 to vector<16xi32>
      %gt3A_50 = arith.cmpi sgt, %get3A_49, %gt3A : vector<16xi32>
      %jit3A = arith.constant 1 : i32
      %jit3A_51 = arith.constant 0 : i32
      %broadcast_in_dim3A_52 = vector.broadcast %jit3A : i32 to vector<16xi32>
      %broadcast_in_dim3A_53 = vector.broadcast %jit3A_51 : i32 to vector<16xi32>
      %select_n3A = arith.select %gt3A_50, %broadcast_in_dim3A_52, %broadcast_in_dim3A_53 : vector<16xi1>, vector<16xi32>
      %add3A_54 = arith.addi %scan3A_46, %select_n3A : vector<16xi32>
      scf.yield %add3A_54 : vector<16xi32>
    }
    %scan3A_21 = arith.constant 64 : i32
    %reduce_sum3A = arith.constant true
    %reduce_sum3A_22 = vector.broadcast %reduce_sum3A : i1 to vector<16xi1>
    %reduce_sum3A_23 = tpu.scan <sum>, %scan3A_20 masked %reduce_sum3A_22 : vector<16xi32>, vector<16xi1> -> vector<16xi32>
    %reduce_sum3A_24 = vector.extract %reduce_sum3A_23[15] : i32 from vector<16xi32>
    %sub3A = arith.constant 64 : i32
    %sub3A_25 = arith.subi %sub3A, %reduce_sum3A_24 : i32
    %scan3A_26 = arith.constant 0 : i32
    %scan3A_27 = arith.constant 0 : i32
    %scan3A_28 = arith.constant 0 : i32
    %scan3A_29 = arith.constant 64 : i32
    %scan3A_30 = arith.addi %scan3A_28, %scan3A_29 : i32
    %scan3A_31 = arith.constant 1 : i32
    %scan3A_32:2 = scf.for %scan3A_45 = %scan3A_28 to %scan3A_30 step %scan3A_31 iter_args(%scan3A_46 = %scan3A_26, %scan3A_47 = %scan3A_27) -> (i32, i32)  : i32 {
      %mul3A_48 = arith.constant 16 : i32
      %mul3A_49 = arith.muli %scan3A_45, %mul3A_48 : i32
      %get3A = arith.index_cast %mul3A_49 : i32 to index
      %get3A_50 = tpu.vector_load %arg7[%get3A] {strides = array<i32>} : memref<1024xi32, #tpu.memory_space<vmem>>, vector<16xi32>,
      %gt3A = vector.broadcast %scan3A_13#0 : i32 to vector<16xi32>
      %gt3A_51 = arith.cmpi sgt, %get3A_50, %gt3A : vector<16xi32>
      %eq3A = vector.broadcast %scan3A_13#0 : i32 to vector<16xi32>
      %eq3A_52 = arith.cmpi eq, %get3A_50, %eq3A : vector<16xi32>
      %convert_element_type3A = arith.extui %eq3A_52 : vector<16xi1> to vector<16xi32>
      %broadcast_in_dim3A_53 = arith.constant true
      %broadcast_in_dim3A_54 = vector.broadcast %broadcast_in_dim3A_53 : i1 to vector<16xi1>
      %masked_cumsum3A = tpu.scan <sum>, %convert_element_type3A masked %broadcast_in_dim3A_54 : vector<16xi32>, vector<16xi1> -> vector<16xi32>
      %add3A_55 = vector.broadcast %scan3A_47 : i32 to vector<16xi32>
      %add3A_56 = arith.addi %add3A_55, %masked_cumsum3A : vector<16xi32>
      %sub3A_57 = arith.constant 1 : i32
      %sub3A_58 = vector.broadcast %sub3A_57 : i32 to vector<16xi32>
      %sub3A_59 = arith.subi %add3A_56, %sub3A_58 : vector<16xi32>
      %lt3A = vector.broadcast %sub3A_25 : i32 to vector<16xi32>
      %lt3A_60 = arith.cmpi slt, %sub3A_59, %lt3A : vector<16xi32>
      %and3A = arith.andi %eq3A_52, %lt3A_60 : vector<16xi1>
      %or3A = arith.ori %gt3A_51, %and3A : vector<16xi1>
      %convert_element_type3A_61 = arith.extui %or3A : vector<16xi1> to vector<16xi32>
      %broadcast_in_dim3A_62 = arith.constant true
      %broadcast_in_dim3A_63 = vector.broadcast %broadcast_in_dim3A_62 : i1 to vector<16xi1>
      %masked_cumsum3A_64 = tpu.scan <sum>, %convert_element_type3A_61 masked %broadcast_in_dim3A_63 : vector<16xi32>, vector<16xi1> -> vector<16xi32>
      %add3A_65 = vector.broadcast %scan3A_46 : i32 to vector<16xi32>
      %add3A_66 = arith.addi %add3A_65, %masked_cumsum3A_64 : vector<16xi32>
      %sub3A_67 = arith.constant 1 : i32
      %sub3A_68 = vector.broadcast %sub3A_67 : i32 to vector<16xi32>
      %sub3A_69 = arith.subi %add3A_66, %sub3A_68 : vector<16xi32>
      %iota3A = tpu.iota {dimensions = array<i32: 0>} : vector<16xi32>
      %mul3A_70 = arith.constant 16 : i32
      %mul3A_71 = arith.muli %scan3A_45, %mul3A_70 : i32
      %add3A_72 = vector.broadcast %mul3A_71 : i32 to vector<16xi32>
      %add3A_73 = arith.addi %iota3A, %add3A_72 : vector<16xi32>
      tpu.vector_store_idx %arg8[%sub3A_69], %add3A_73 masked %or3A : memref<64xi32, #tpu.memory_space<vmem>>[vector<16xi32>], vector<16xi32>, vector<16xi1>
      %reduce_sum3A_74 = arith.constant true
      %reduce_sum3A_75 = vector.broadcast %reduce_sum3A_74 : i1 to vector<16xi1>
      %reduce_sum3A_76 = tpu.scan <sum>, %convert_element_type3A_61 masked %reduce_sum3A_75 : vector<16xi32>, vector<16xi1> -> vector<16xi32>
      %reduce_sum3A_77 = vector.extract %reduce_sum3A_76[15] : i32 from vector<16xi32>
      %add3A_78 = arith.addi %scan3A_46, %reduce_sum3A_77 : i32
      %convert_element_type3A_79 = arith.extui %eq3A_52 : vector<16xi1> to vector<16xi32>
      %reduce_sum3A_80 = arith.constant true
      %reduce_sum3A_81 = vector.broadcast %reduce_sum3A_80 : i1 to vector<16xi1>
      %reduce_sum3A_82 = tpu.scan <sum>, %convert_element_type3A_79 masked %reduce_sum3A_81 : vector<16xi32>, vector<16xi1> -> vector<16xi32>
      %reduce_sum3A_83 = vector.extract %reduce_sum3A_82[15] : i32 from vector<16xi32>
      %add3A_84 = arith.addi %scan3A_47, %reduce_sum3A_83 : i32
      scf.yield %add3A_78, %add3A_84 : i32, i32
    }
    %scan3A_33 = arith.constant 64 : i32
    %scan3A_34 = arith.constant 0 : i32
    %scan3A_35 = arith.constant 0 : i32
    %scan3A_36 = arith.constant 4 : i32
    %scan3A_37 = arith.addi %scan3A_35, %scan3A_36 : i32
    %scan3A_38 = arith.constant 1 : i32
    %scan3A_39 = scf.for %scan3A_45 = %scan3A_35 to %scan3A_37 step %scan3A_38 iter_args(%scan3A_46 = %scan3A_34) -> (i32)  : i32 {
      %mul3A_47 = arith.constant 16 : i32
      %mul3A_48 = arith.muli %scan3A_45, %mul3A_47 : i32
      %get3A = arith.index_cast %mul3A_48 : i32 to index
      %get3A_49 = tpu.vector_load %arg8[%get3A] {strides = array<i32>} : memref<64xi32, #tpu.memory_space<vmem>>, vector<16xi32>,
      %gather3A = tpu.vector_load_idx %arg6[%get3A_49] : memref<1024xf32, #tpu.memory_space<vmem>>[vector<16xi32>], vector<16xf32>,
      %mul3A_50 = arith.constant 16 : i32
      %mul3A_51 = arith.muli %scan3A_45, %mul3A_50 : i32
      %swap3A = arith.index_cast %mul3A_51 : i32 to index
      %swap3A_52 = tpu.vector_load %arg10[%swap3A] {strides = array<i32>} : memref<64xf32, #tpu.memory_space<vmem>>, vector<16xf32>,
      tpu.vector_store %arg10[%swap3A], %gather3A {strides = array<i32>} : memref<64xf32, #tpu.memory_space<vmem>>, vector<16xf32>,
      %mul3A_53 = arith.constant 1024 : i32
      %mul3A_54 = arith.muli %add3A, %mul3A_53 : i32
      %add3A_55 = vector.broadcast %mul3A_54 : i32 to vector<16xi32>
      %add3A_56 = arith.addi %get3A_49, %add3A_55 : vector<16xi32>
      %mul3A_57 = arith.constant 16 : i32
      %mul3A_58 = arith.muli %scan3A_45, %mul3A_57 : i32
      %swap3A_59 = arith.index_cast %mul3A_58 : i32 to index
      %swap3A_60 = tpu.vector_load %arg9[%swap3A_59] {strides = array<i32>} : memref<64xi32, #tpu.memory_space<vmem>>, vector<16xi32>,
      tpu.vector_store %arg9[%swap3A_59], %add3A_56 {strides = array<i32>} : memref<64xi32, #tpu.memory_space<vmem>>, vector<16xi32>,
      %scan3A_61 = arith.constant 0 : i32
      scf.yield %scan3A_61 : i32
    }
    %scan3A_40 = arith.constant 4 : i32
    %dma_start3A = arith.constant 0 : i32
    %dma_start3A_41 = arith.constant 0 : i32
    %dma_start3A_42 = tpu.memref_slice %arg3[%dma_start3A, %dma_start3A_41] : memref<32768x768xf32, #tpu.memory_space<hbm>> -> memref<32768x768xf32, #tpu.memory_space<hbm>>
    tpu.enqueue_indirect_dma source(%dma_start3A_42 : memref<32768x768xf32, #tpu.memory_space<hbm>>) target(%arg11 : memref<64x768xf32, #tpu.memory_space<vmem>>) offsets(%arg9 : memref<64xi32, #tpu.memory_space<vmem>>) semaphore(%arg12 : memref<!tpu.dma_semaphore, #tpu.memory_space<semaphore_mem>>)
    %dma_wait3A = arith.constant 0 : i32
    %dma_wait3A_43 = arith.constant 0 : i32
    %dma_wait3A_44 = tpu.memref_slice %arg3[%dma_wait3A, %dma_wait3A_43] : memref<32768x768xf32, #tpu.memory_space<hbm>> -> memref<32768x768xf32, #tpu.memory_space<hbm>>
    tpu.wait_indirect_dma semaphore(%arg12 : memref<!tpu.dma_semaphore, #tpu.memory_space<semaphore_mem>>) src(%dma_wait3A_44 : memref<32768x768xf32, #tpu.memory_space<hbm>>) dst(%arg11 : memref<64x768xf32, #tpu.memory_space<vmem>>)
    "tpu.region"() ({
      %run_scoped3A = tpu.sem_alloc : memref<!tpu.dma_semaphore, #tpu.memory_space<semaphore_mem>>
      %dma_start3A_45 = arith.constant 0 : i32
      %dma_start3A_46 = arith.constant 0 : i32
      %dma_start3A_47 = tpu.memref_slice %arg4[%add3A, %dma_start3A_45, %dma_start3A_46] : memref<32x64x768xf32, #tpu.memory_space<hbm>> -> memref<1x64x768xf32, #tpu.memory_space<hbm>>
      %dma_start3A_48 = tpu.memref_squeeze %dma_start3A_47 : memref<1x64x768xf32, #tpu.memory_space<hbm>> -> memref<64x768xf32, #tpu.memory_space<hbm>>
      %dma_start3A_49 = arith.constant 0 : i32
      %dma_start3A_50 = arith.constant 0 : i32
      %dma_start3A_51 = tpu.memref_slice %arg4[%add3A, %dma_start3A_49, %dma_start3A_50] : memref<32x64x768xf32, #tpu.memory_space<hbm>> -> memref<1x64x768xf32, #tpu.memory_space<hbm>>
      %dma_start3A_52 = tpu.memref_squeeze %dma_start3A_51 : memref<1x64x768xf32, #tpu.memory_space<hbm>> -> memref<64x768xf32, #tpu.memory_space<hbm>>
      tpu.enqueue_dma source(%arg11 : memref<64x768xf32, #tpu.memory_space<vmem>>) target(%dma_start3A_52 : memref<64x768xf32, #tpu.memory_space<hbm>>) target_semaphore(%run_scoped3A : memref<!tpu.dma_semaphore, #tpu.memory_space<semaphore_mem>>)
      %dma_wait3A_53 = arith.constant 0 : i32
      %dma_wait3A_54 = arith.constant 0 : i32
      %dma_wait3A_55 = tpu.memref_slice %arg4[%add3A, %dma_wait3A_53, %dma_wait3A_54] : memref<32x64x768xf32, #tpu.memory_space<hbm>> -> memref<1x64x768xf32, #tpu.memory_space<hbm>>
      %dma_wait3A_56 = tpu.memref_squeeze %dma_wait3A_55 : memref<1x64x768xf32, #tpu.memory_space<hbm>> -> memref<64x768xf32, #tpu.memory_space<hbm>>
      %dma_wait3A_57 = arith.constant 0 : i32
      %dma_wait3A_58 = arith.constant 0 : i32
      %dma_wait3A_59 = tpu.memref_slice %arg4[%add3A, %dma_wait3A_57, %dma_wait3A_58] : memref<32x64x768xf32, #tpu.memory_space<hbm>> -> memref<1x64x768xf32, #tpu.memory_space<hbm>>
      %dma_wait3A_60 = tpu.memref_squeeze %dma_wait3A_59 : memref<1x64x768xf32, #tpu.memory_space<hbm>> -> memref<64x768xf32, #tpu.memory_space<hbm>>
      tpu.wait_dma2 semaphore(%run_scoped3A : memref<!tpu.dma_semaphore, #tpu.memory_space<semaphore_mem>>) src(%arg11 : memref<64x768xf32, #tpu.memory_space<vmem>>) dst(%dma_wait3A_60 : memref<64x768xf32, #tpu.memory_space<hbm>>)
      tpu.yield
    }) : () -> ()
    "tpu.region"() ({
      %run_scoped3A = tpu.sem_alloc : memref<!tpu.dma_semaphore, #tpu.memory_space<semaphore_mem>>
      %dma_start3A_45 = arith.constant 0 : i32
      %dma_start3A_46 = tpu.memref_slice %arg5[%add3A, %dma_start3A_45] : memref<32x64xf32, #tpu.memory_space<hbm>> -> memref<1x64xf32, #tpu.memory_space<hbm>>
      %dma_start3A_47 = tpu.memref_squeeze %dma_start3A_46 : memref<1x64xf32, #tpu.memory_space<hbm>> -> memref<64xf32, #tpu.memory_space<hbm>>
      %dma_start3A_48 = arith.constant 0 : i32
      %dma_start3A_49 = tpu.memref_slice %arg5[%add3A, %dma_start3A_48] : memref<32x64xf32, #tpu.memory_space<hbm>> -> memref<1x64xf32, #tpu.memory_space<hbm>>
      %dma_start3A_50 = tpu.memref_squeeze %dma_start3A_49 : memref<1x64xf32, #tpu.memory_space<hbm>> -> memref<64xf32, #tpu.memory_space<hbm>>
      tpu.enqueue_dma source(%arg10 : memref<64xf32, #tpu.memory_space<vmem>>) target(%dma_start3A_50 : memref<64xf32, #tpu.memory_space<hbm>>) target_semaphore(%run_scoped3A : memref<!tpu.dma_semaphore, #tpu.memory_space<semaphore_mem>>)
      %dma_wait3A_51 = arith.constant 0 : i32
      %dma_wait3A_52 = tpu.memref_slice %arg5[%add3A, %dma_wait3A_51] : memref<32x64xf32, #tpu.memory_space<hbm>> -> memref<1x64xf32, #tpu.memory_space<hbm>>
      %dma_wait3A_53 = tpu.memref_squeeze %dma_wait3A_52 : memref<1x64xf32, #tpu.memory_space<hbm>> -> memref<64xf32, #tpu.memory_space<hbm>>
      %dma_wait3A_54 = arith.constant 0 : i32
      %dma_wait3A_55 = tpu.memref_slice %arg5[%add3A, %dma_wait3A_54] : memref<32x64xf32, #tpu.memory_space<hbm>> -> memref<1x64xf32, #tpu.memory_space<hbm>>
      %dma_wait3A_56 = tpu.memref_squeeze %dma_wait3A_55 : memref<1x64xf32, #tpu.memory_space<hbm>> -> memref<64xf32, #tpu.memory_space<hbm>>
      tpu.wait_dma2 semaphore(%run_scoped3A : memref<!tpu.dma_semaphore, #tpu.memory_space<semaphore_mem>>) src(%arg10 : memref<64xf32, #tpu.memory_space<vmem>>) dst(%dma_wait3A_56 : memref<64xf32, #tpu.memory_space<hbm>>)
      tpu.yield
    }) : () -> ()
    return
  }
}

module attributes {stable_mosaic.version = 14 : i64} {
  func.func @_refine_body(%arg0: i32, %arg1: memref<8x64x768xf32, #tpu.memory_space<vmem>>, %arg2: memref<8x1x64xf32, #tpu.memory_space<vmem>>, %arg3: memref<32x768xf32, #tpu.memory_space<vmem>>, %arg4: memref<768x768xf32, #tpu.memory_space<vmem>>, %arg5: memref<1x768xf32, #tpu.memory_space<vmem>>, %arg6: memref<1x768xf32, #tpu.memory_space<vmem>>, %arg7: memref<1x768xf32, #tpu.memory_space<vmem>>, %arg8: memref<768x768xf32, #tpu.memory_space<vmem>>, %arg9: memref<1x768xf32, #tpu.memory_space<vmem>>, %arg10: memref<1x768xf32, #tpu.memory_space<vmem>>, %arg11: memref<1x768xf32, #tpu.memory_space<vmem>>, %arg12: memref<768x768xf32, #tpu.memory_space<vmem>>, %arg13: memref<1x768xf32, #tpu.memory_space<vmem>>, %arg14: memref<768x768xf32, #tpu.memory_space<vmem>>, %arg15: memref<1x768xf32, #tpu.memory_space<vmem>>, %arg16: memref<768x768xf32, #tpu.memory_space<vmem>>, %arg17: memref<1x768xf32, #tpu.memory_space<vmem>>, %arg18: memref<1x768xf32, #tpu.memory_space<vmem>>, %arg19: memref<1x768xf32, #tpu.memory_space<vmem>>, %arg20: memref<1x768xf32, #tpu.memory_space<vmem>>, %arg21: memref<1x1xf32, #tpu.memory_space<vmem>>, %arg22: memref<8x1x32xf32, #tpu.memory_space<vmem>>) attributes {dimension_semantics = [#tpu.dimension_semantics<arbitrary>], iteration_bounds = array<i64: 4>, scalar_prefetch = 0 : i64, scratch_operands = 0 : i64, tpu.core_type = #tpu.core_type<tc>, window_params = [{transform_indices = @transform_0, window_bounds = array<i64: 8, 64, 768>}, {transform_indices = @transform_1, window_bounds = array<i64: 8, 1, 64>}, {pipeline_mode = #tpu.pipeline_mode<synchronous>, transform_indices = @transform_2, window_bounds = array<i64: 32, 768>}, {pipeline_mode = #tpu.pipeline_mode<synchronous>, transform_indices = @transform_3, window_bounds = array<i64: 768, 768>}, {pipeline_mode = #tpu.pipeline_mode<synchronous>, transform_indices = @transform_4, window_bounds = array<i64: 1, 768>}, {pipeline_mode = #tpu.pipeline_mode<synchronous>, transform_indices = @transform_5, window_bounds = array<i64: 1, 768>}, {pipeline_mode = #tpu.pipeline_mode<synchronous>, transform_indices = @transform_6, window_bounds = array<i64: 1, 768>}, {pipeline_mode = #tpu.pipeline_mode<synchronous>, transform_indices = @transform_7, window_bounds = array<i64: 768, 768>}, {pipeline_mode = #tpu.pipeline_mode<synchronous>, transform_indices = @transform_8, window_bounds = array<i64: 1, 768>}, {pipeline_mode = #tpu.pipeline_mode<synchronous>, transform_indices = @transform_9, window_bounds = array<i64: 1, 768>}, {pipeline_mode = #tpu.pipeline_mode<synchronous>, transform_indices = @transform_10, window_bounds = array<i64: 1, 768>}, {pipeline_mode = #tpu.pipeline_mode<synchronous>, transform_indices = @transform_11, window_bounds = array<i64: 768, 768>}, {pipeline_mode = #tpu.pipeline_mode<synchronous>, transform_indices = @transform_12, window_bounds = array<i64: 1, 768>}, {pipeline_mode = #tpu.pipeline_mode<synchronous>, transform_indices = @transform_13, window_bounds = array<i64: 768, 768>}, {pipeline_mode = #tpu.pipeline_mode<synchronous>, transform_indices = @transform_14, window_bounds = array<i64: 1, 768>}, {pipeline_mode = #tpu.pipeline_mode<synchronous>, transform_indices = @transform_15, window_bounds = array<i64: 768, 768>}, {pipeline_mode = #tpu.pipeline_mode<synchronous>, transform_indices = @transform_16, window_bounds = array<i64: 1, 768>}, {pipeline_mode = #tpu.pipeline_mode<synchronous>, transform_indices = @transform_17, window_bounds = array<i64: 1, 768>}, {pipeline_mode = #tpu.pipeline_mode<synchronous>, transform_indices = @transform_18, window_bounds = array<i64: 1, 768>}, {pipeline_mode = #tpu.pipeline_mode<synchronous>, transform_indices = @transform_19, window_bounds = array<i64: 1, 768>}, {pipeline_mode = #tpu.pipeline_mode<synchronous>, transform_indices = @transform_20, window_bounds = array<i64: 1, 1>}, {transform_indices = @transform_21, window_bounds = array<i64: 8, 1, 32>}]} {
    %get3A = arith.constant 0 : index
    %get3A_0 = arith.constant 0 : index
    %get3A_1 = arith.constant 0 : index
    %get3A_2 = vector.load %arg2[%get3A, %get3A_0, %get3A_1] : memref<8x1x64xf32, #tpu.memory_space<vmem>>, vector<1x1x64xf32>
    %get3A_3 = vector.shape_cast %get3A_2 : vector<1x1x64xf32> to vector<64xf32>
    %get3A_4 = arith.constant 0 : index
    %get3A_5 = arith.constant 0 : index
    %get3A_6 = arith.constant 0 : index
    %get3A_7 = vector.load %arg1[%get3A_4, %get3A_5, %get3A_6] : memref<8x64x768xf32, #tpu.memory_space<vmem>>, vector<1x64x768xf32>
    %get3A_8 = vector.shape_cast %get3A_7 : vector<1x64x768xf32> to vector<64x768xf32>
    %broadcast_in_dim3A = vector.shape_cast %get3A_3 : vector<64xf32> to vector<64x1xf32>
    %mul3A = vector.broadcast %broadcast_in_dim3A : vector<64x1xf32> to vector<64x768xf32>
    %mul3A_9 = arith.mulf %get3A_8, %mul3A : vector<64x768xf32>
    %mul3A_10 = arith.mulf %mul3A_9, %mul3A_9 : vector<64x768xf32>
    %reduce_sum3A = arith.constant dense<0.000000e+00> : vector<64xf32>
    %reduce_sum3A_11 = vector.multi_reduction <add>, %mul3A_10, %reduce_sum3A [1] : vector<64x768xf32> to vector<64xf32>
    %broadcast_in_dim3A_12 = vector.shape_cast %reduce_sum3A_11 : vector<64xf32> to vector<64x1xf32>
    %sqrt3A = math.sqrt %broadcast_in_dim3A_12 : vector<64x1xf32>
    %max3A = arith.constant 9.99999996E-13 : f32
    %max3A_13 = vector.broadcast %max3A : f32 to vector<64x1xf32>
    %max3A_14 = arith.maximumf %sqrt3A, %max3A_13 : vector<64x1xf32>
    %div3A = vector.broadcast %max3A_14 : vector<64x1xf32> to vector<64x768xf32>
    %div3A_15 = arith.divf %mul3A_9, %div3A : vector<64x768xf32>
    %convert_element_type3A = arith.truncf %div3A_15 : vector<64x768xf32> to vector<64x768xbf16>
    %dot_general3A = arith.constant dense<0.000000e+00> : vector<64x64xf32>
    %dot_general3A_16 = tpu.matmul %convert_element_type3A, %convert_element_type3A, %dot_general3A {dimension_numbers = #tpu.dot_dimension_numbers<[1], [1], [0], [0], [0, 0, 1, 0], [], []>, transpose_lhs_hint = false} : vector<64x768xbf16>, vector<64x768xbf16>, vector<64x64xf32> -> vector<64x64xf32>
    %mul3A_17 = arith.constant 1.000000e+01 : f32
    %mul3A_18 = vector.broadcast %mul3A_17 : f32 to vector<64x64xf32>
    %mul3A_19 = arith.mulf %dot_general3A_16, %mul3A_18 : vector<64x64xf32>
    %reduce_max3A = arith.constant dense<0xFF800000> : vector<64xf32>
    %reduce_max3A_20 = vector.multi_reduction <maximumf>, %mul3A_19, %reduce_max3A [1] : vector<64x64xf32> to vector<64xf32>
    %max3A_21 = arith.constant 0xFF800000 : f32
    %max3A_22 = vector.broadcast %max3A_21 : f32 to vector<64xf32>
    %max3A_23 = arith.maximumf %max3A_22, %reduce_max3A_20 : vector<64xf32>
    %broadcast_in_dim3A_24 = vector.shape_cast %max3A_23 : vector<64xf32> to vector<64x1xf32>
    %sub3A = vector.broadcast %broadcast_in_dim3A_24 : vector<64x1xf32> to vector<64x64xf32>
    %sub3A_25 = arith.subf %mul3A_19, %sub3A : vector<64x64xf32>
    %exp3A = math.exp %sub3A_25 : vector<64x64xf32>
    %reduce_sum3A_26 = arith.constant dense<0.000000e+00> : vector<64xf32>
    %reduce_sum3A_27 = vector.multi_reduction <add>, %exp3A, %reduce_sum3A_26 [1] : vector<64x64xf32> to vector<64xf32>
    %broadcast_in_dim3A_28 = vector.shape_cast %reduce_sum3A_27 : vector<64xf32> to vector<64x1xf32>
    %div3A_29 = vector.broadcast %broadcast_in_dim3A_28 : vector<64x1xf32> to vector<64x64xf32>
    %div3A_30 = arith.divf %exp3A, %div3A_29 : vector<64x64xf32>
    %get3A_31 = arith.constant 1 : index
    %get3A_32 = arith.constant 0 : index
    %get3A_33 = arith.constant 0 : index
    %get3A_34 = vector.load %arg2[%get3A_31, %get3A_32, %get3A_33] : memref<8x1x64xf32, #tpu.memory_space<vmem>>, vector<1x1x64xf32>
    %get3A_35 = vector.shape_cast %get3A_34 : vector<1x1x64xf32> to vector<64xf32>
    %get3A_36 = arith.constant 1 : index
    %get3A_37 = arith.constant 0 : index
    %get3A_38 = arith.constant 0 : index
    %get3A_39 = vector.load %arg1[%get3A_36, %get3A_37, %get3A_38] : memref<8x64x768xf32, #tpu.memory_space<vmem>>, vector<1x64x768xf32>
    %get3A_40 = vector.shape_cast %get3A_39 : vector<1x64x768xf32> to vector<64x768xf32>
    %broadcast_in_dim3A_41 = vector.shape_cast %get3A_35 : vector<64xf32> to vector<64x1xf32>
    %mul3A_42 = vector.broadcast %broadcast_in_dim3A_41 : vector<64x1xf32> to vector<64x768xf32>
    %mul3A_43 = arith.mulf %get3A_40, %mul3A_42 : vector<64x768xf32>
    %mul3A_44 = arith.mulf %mul3A_43, %mul3A_43 : vector<64x768xf32>
    %reduce_sum3A_45 = arith.constant dense<0.000000e+00> : vector<64xf32>
    %reduce_sum3A_46 = vector.multi_reduction <add>, %mul3A_44, %reduce_sum3A_45 [1] : vector<64x768xf32> to vector<64xf32>
    %broadcast_in_dim3A_47 = vector.shape_cast %reduce_sum3A_46 : vector<64xf32> to vector<64x1xf32>
    %sqrt3A_48 = math.sqrt %broadcast_in_dim3A_47 : vector<64x1xf32>
    %max3A_49 = arith.constant 9.99999996E-13 : f32
    %max3A_50 = vector.broadcast %max3A_49 : f32 to vector<64x1xf32>
    %max3A_51 = arith.maximumf %sqrt3A_48, %max3A_50 : vector<64x1xf32>
    %div3A_52 = vector.broadcast %max3A_51 : vector<64x1xf32> to vector<64x768xf32>
    %div3A_53 = arith.divf %mul3A_43, %div3A_52 : vector<64x768xf32>
    %convert_element_type3A_54 = arith.truncf %div3A_53 : vector<64x768xf32> to vector<64x768xbf16>
    %dot_general3A_55 = arith.constant dense<0.000000e+00> : vector<64x64xf32>
    %dot_general3A_56 = tpu.matmul %convert_element_type3A_54, %convert_element_type3A_54, %dot_general3A_55 {dimension_numbers = #tpu.dot_dimension_numbers<[1], [1], [0], [0], [0, 0, 1, 0], [], []>, transpose_lhs_hint = false} : vector<64x768xbf16>, vector<64x768xbf16>, vector<64x64xf32> -> vector<64x64xf32>
    %mul3A_57 = arith.constant 1.000000e+01 : f32
    %mul3A_58 = vector.broadcast %mul3A_57 : f32 to vector<64x64xf32>
    %mul3A_59 = arith.mulf %dot_general3A_56, %mul3A_58 : vector<64x64xf32>
    %reduce_max3A_60 = arith.constant dense<0xFF800000> : vector<64xf32>
    %reduce_max3A_61 = vector.multi_reduction <maximumf>, %mul3A_59, %reduce_max3A_60 [1] : vector<64x64xf32> to vector<64xf32>
    %max3A_62 = arith.constant 0xFF800000 : f32
    %max3A_63 = vector.broadcast %max3A_62 : f32 to vector<64xf32>
    %max3A_64 = arith.maximumf %max3A_63, %reduce_max3A_61 : vector<64xf32>
    %broadcast_in_dim3A_65 = vector.shape_cast %max3A_64 : vector<64xf32> to vector<64x1xf32>
    %sub3A_66 = vector.broadcast %broadcast_in_dim3A_65 : vector<64x1xf32> to vector<64x64xf32>
    %sub3A_67 = arith.subf %mul3A_59, %sub3A_66 : vector<64x64xf32>
    %exp3A_68 = math.exp %sub3A_67 : vector<64x64xf32>
    %reduce_sum3A_69 = arith.constant dense<0.000000e+00> : vector<64xf32>
    %reduce_sum3A_70 = vector.multi_reduction <add>, %exp3A_68, %reduce_sum3A_69 [1] : vector<64x64xf32> to vector<64xf32>
    %broadcast_in_dim3A_71 = vector.shape_cast %reduce_sum3A_70 : vector<64xf32> to vector<64x1xf32>
    %div3A_72 = vector.broadcast %broadcast_in_dim3A_71 : vector<64x1xf32> to vector<64x64xf32>
    %div3A_73 = arith.divf %exp3A_68, %div3A_72 : vector<64x64xf32>
    %get3A_74 = arith.constant 2 : index
    %get3A_75 = arith.constant 0 : index
    %get3A_76 = arith.constant 0 : index
    %get3A_77 = vector.load %arg2[%get3A_74, %get3A_75, %get3A_76] : memref<8x1x64xf32, #tpu.memory_space<vmem>>, vector<1x1x64xf32>
    %get3A_78 = vector.shape_cast %get3A_77 : vector<1x1x64xf32> to vector<64xf32>
    %get3A_79 = arith.constant 2 : index
    %get3A_80 = arith.constant 0 : index
    %get3A_81 = arith.constant 0 : index
    %get3A_82 = vector.load %arg1[%get3A_79, %get3A_80, %get3A_81] : memref<8x64x768xf32, #tpu.memory_space<vmem>>, vector<1x64x768xf32>
    %get3A_83 = vector.shape_cast %get3A_82 : vector<1x64x768xf32> to vector<64x768xf32>
    %broadcast_in_dim3A_84 = vector.shape_cast %get3A_78 : vector<64xf32> to vector<64x1xf32>
    %mul3A_85 = vector.broadcast %broadcast_in_dim3A_84 : vector<64x1xf32> to vector<64x768xf32>
    %mul3A_86 = arith.mulf %get3A_83, %mul3A_85 : vector<64x768xf32>
    %mul3A_87 = arith.mulf %mul3A_86, %mul3A_86 : vector<64x768xf32>
    %reduce_sum3A_88 = arith.constant dense<0.000000e+00> : vector<64xf32>
    %reduce_sum3A_89 = vector.multi_reduction <add>, %mul3A_87, %reduce_sum3A_88 [1] : vector<64x768xf32> to vector<64xf32>
    %broadcast_in_dim3A_90 = vector.shape_cast %reduce_sum3A_89 : vector<64xf32> to vector<64x1xf32>
    %sqrt3A_91 = math.sqrt %broadcast_in_dim3A_90 : vector<64x1xf32>
    %max3A_92 = arith.constant 9.99999996E-13 : f32
    %max3A_93 = vector.broadcast %max3A_92 : f32 to vector<64x1xf32>
    %max3A_94 = arith.maximumf %sqrt3A_91, %max3A_93 : vector<64x1xf32>
    %div3A_95 = vector.broadcast %max3A_94 : vector<64x1xf32> to vector<64x768xf32>
    %div3A_96 = arith.divf %mul3A_86, %div3A_95 : vector<64x768xf32>
    %convert_element_type3A_97 = arith.truncf %div3A_96 : vector<64x768xf32> to vector<64x768xbf16>
    %dot_general3A_98 = arith.constant dense<0.000000e+00> : vector<64x64xf32>
    %dot_general3A_99 = tpu.matmul %convert_element_type3A_97, %convert_element_type3A_97, %dot_general3A_98 {dimension_numbers = #tpu.dot_dimension_numbers<[1], [1], [0], [0], [0, 0, 1, 0], [], []>, transpose_lhs_hint = false} : vector<64x768xbf16>, vector<64x768xbf16>, vector<64x64xf32> -> vector<64x64xf32>
    %mul3A_100 = arith.constant 1.000000e+01 : f32
    %mul3A_101 = vector.broadcast %mul3A_100 : f32 to vector<64x64xf32>
    %mul3A_102 = arith.mulf %dot_general3A_99, %mul3A_101 : vector<64x64xf32>
    %reduce_max3A_103 = arith.constant dense<0xFF800000> : vector<64xf32>
    %reduce_max3A_104 = vector.multi_reduction <maximumf>, %mul3A_102, %reduce_max3A_103 [1] : vector<64x64xf32> to vector<64xf32>
    %max3A_105 = arith.constant 0xFF800000 : f32
    %max3A_106 = vector.broadcast %max3A_105 : f32 to vector<64xf32>
    %max3A_107 = arith.maximumf %max3A_106, %reduce_max3A_104 : vector<64xf32>
    %broadcast_in_dim3A_108 = vector.shape_cast %max3A_107 : vector<64xf32> to vector<64x1xf32>
    %sub3A_109 = vector.broadcast %broadcast_in_dim3A_108 : vector<64x1xf32> to vector<64x64xf32>
    %sub3A_110 = arith.subf %mul3A_102, %sub3A_109 : vector<64x64xf32>
    %exp3A_111 = math.exp %sub3A_110 : vector<64x64xf32>
    %reduce_sum3A_112 = arith.constant dense<0.000000e+00> : vector<64xf32>
    %reduce_sum3A_113 = vector.multi_reduction <add>, %exp3A_111, %reduce_sum3A_112 [1] : vector<64x64xf32> to vector<64xf32>
    %broadcast_in_dim3A_114 = vector.shape_cast %reduce_sum3A_113 : vector<64xf32> to vector<64x1xf32>
    %div3A_115 = vector.broadcast %broadcast_in_dim3A_114 : vector<64x1xf32> to vector<64x64xf32>
    %div3A_116 = arith.divf %exp3A_111, %div3A_115 : vector<64x64xf32>
    %get3A_117 = arith.constant 3 : index
    %get3A_118 = arith.constant 0 : index
    %get3A_119 = arith.constant 0 : index
    %get3A_120 = vector.load %arg2[%get3A_117, %get3A_118, %get3A_119] : memref<8x1x64xf32, #tpu.memory_space<vmem>>, vector<1x1x64xf32>
    %get3A_121 = vector.shape_cast %get3A_120 : vector<1x1x64xf32> to vector<64xf32>
    %get3A_122 = arith.constant 3 : index
    %get3A_123 = arith.constant 0 : index
    %get3A_124 = arith.constant 0 : index
    %get3A_125 = vector.load %arg1[%get3A_122, %get3A_123, %get3A_124] : memref<8x64x768xf32, #tpu.memory_space<vmem>>, vector<1x64x768xf32>
    %get3A_126 = vector.shape_cast %get3A_125 : vector<1x64x768xf32> to vector<64x768xf32>
    %broadcast_in_dim3A_127 = vector.shape_cast %get3A_121 : vector<64xf32> to vector<64x1xf32>
    %mul3A_128 = vector.broadcast %broadcast_in_dim3A_127 : vector<64x1xf32> to vector<64x768xf32>
    %mul3A_129 = arith.mulf %get3A_126, %mul3A_128 : vector<64x768xf32>
    %mul3A_130 = arith.mulf %mul3A_129, %mul3A_129 : vector<64x768xf32>
    %reduce_sum3A_131 = arith.constant dense<0.000000e+00> : vector<64xf32>
    %reduce_sum3A_132 = vector.multi_reduction <add>, %mul3A_130, %reduce_sum3A_131 [1] : vector<64x768xf32> to vector<64xf32>
    %broadcast_in_dim3A_133 = vector.shape_cast %reduce_sum3A_132 : vector<64xf32> to vector<64x1xf32>
    %sqrt3A_134 = math.sqrt %broadcast_in_dim3A_133 : vector<64x1xf32>
    %max3A_135 = arith.constant 9.99999996E-13 : f32
    %max3A_136 = vector.broadcast %max3A_135 : f32 to vector<64x1xf32>
    %max3A_137 = arith.maximumf %sqrt3A_134, %max3A_136 : vector<64x1xf32>
    %div3A_138 = vector.broadcast %max3A_137 : vector<64x1xf32> to vector<64x768xf32>
    %div3A_139 = arith.divf %mul3A_129, %div3A_138 : vector<64x768xf32>
    %convert_element_type3A_140 = arith.truncf %div3A_139 : vector<64x768xf32> to vector<64x768xbf16>
    %dot_general3A_141 = arith.constant dense<0.000000e+00> : vector<64x64xf32>
    %dot_general3A_142 = tpu.matmul %convert_element_type3A_140, %convert_element_type3A_140, %dot_general3A_141 {dimension_numbers = #tpu.dot_dimension_numbers<[1], [1], [0], [0], [0, 0, 1, 0], [], []>, transpose_lhs_hint = false} : vector<64x768xbf16>, vector<64x768xbf16>, vector<64x64xf32> -> vector<64x64xf32>
    %mul3A_143 = arith.constant 1.000000e+01 : f32
    %mul3A_144 = vector.broadcast %mul3A_143 : f32 to vector<64x64xf32>
    %mul3A_145 = arith.mulf %dot_general3A_142, %mul3A_144 : vector<64x64xf32>
    %reduce_max3A_146 = arith.constant dense<0xFF800000> : vector<64xf32>
    %reduce_max3A_147 = vector.multi_reduction <maximumf>, %mul3A_145, %reduce_max3A_146 [1] : vector<64x64xf32> to vector<64xf32>
    %max3A_148 = arith.constant 0xFF800000 : f32
    %max3A_149 = vector.broadcast %max3A_148 : f32 to vector<64xf32>
    %max3A_150 = arith.maximumf %max3A_149, %reduce_max3A_147 : vector<64xf32>
    %broadcast_in_dim3A_151 = vector.shape_cast %max3A_150 : vector<64xf32> to vector<64x1xf32>
    %sub3A_152 = vector.broadcast %broadcast_in_dim3A_151 : vector<64x1xf32> to vector<64x64xf32>
    %sub3A_153 = arith.subf %mul3A_145, %sub3A_152 : vector<64x64xf32>
    %exp3A_154 = math.exp %sub3A_153 : vector<64x64xf32>
    %reduce_sum3A_155 = arith.constant dense<0.000000e+00> : vector<64xf32>
    %reduce_sum3A_156 = vector.multi_reduction <add>, %exp3A_154, %reduce_sum3A_155 [1] : vector<64x64xf32> to vector<64xf32>
    %broadcast_in_dim3A_157 = vector.shape_cast %reduce_sum3A_156 : vector<64xf32> to vector<64x1xf32>
    %div3A_158 = vector.broadcast %broadcast_in_dim3A_157 : vector<64x1xf32> to vector<64x64xf32>
    %div3A_159 = arith.divf %exp3A_154, %div3A_158 : vector<64x64xf32>
    %get3A_160 = arith.constant 4 : index
    %get3A_161 = arith.constant 0 : index
    %get3A_162 = arith.constant 0 : index
    %get3A_163 = vector.load %arg2[%get3A_160, %get3A_161, %get3A_162] : memref<8x1x64xf32, #tpu.memory_space<vmem>>, vector<1x1x64xf32>
    %get3A_164 = vector.shape_cast %get3A_163 : vector<1x1x64xf32> to vector<64xf32>
    %get3A_165 = arith.constant 4 : index
    %get3A_166 = arith.constant 0 : index
    %get3A_167 = arith.constant 0 : index
    %get3A_168 = vector.load %arg1[%get3A_165, %get3A_166, %get3A_167] : memref<8x64x768xf32, #tpu.memory_space<vmem>>, vector<1x64x768xf32>
    %get3A_169 = vector.shape_cast %get3A_168 : vector<1x64x768xf32> to vector<64x768xf32>
    %broadcast_in_dim3A_170 = vector.shape_cast %get3A_164 : vector<64xf32> to vector<64x1xf32>
    %mul3A_171 = vector.broadcast %broadcast_in_dim3A_170 : vector<64x1xf32> to vector<64x768xf32>
    %mul3A_172 = arith.mulf %get3A_169, %mul3A_171 : vector<64x768xf32>
    %mul3A_173 = arith.mulf %mul3A_172, %mul3A_172 : vector<64x768xf32>
    %reduce_sum3A_174 = arith.constant dense<0.000000e+00> : vector<64xf32>
    %reduce_sum3A_175 = vector.multi_reduction <add>, %mul3A_173, %reduce_sum3A_174 [1] : vector<64x768xf32> to vector<64xf32>
    %broadcast_in_dim3A_176 = vector.shape_cast %reduce_sum3A_175 : vector<64xf32> to vector<64x1xf32>
    %sqrt3A_177 = math.sqrt %broadcast_in_dim3A_176 : vector<64x1xf32>
    %max3A_178 = arith.constant 9.99999996E-13 : f32
    %max3A_179 = vector.broadcast %max3A_178 : f32 to vector<64x1xf32>
    %max3A_180 = arith.maximumf %sqrt3A_177, %max3A_179 : vector<64x1xf32>
    %div3A_181 = vector.broadcast %max3A_180 : vector<64x1xf32> to vector<64x768xf32>
    %div3A_182 = arith.divf %mul3A_172, %div3A_181 : vector<64x768xf32>
    %convert_element_type3A_183 = arith.truncf %div3A_182 : vector<64x768xf32> to vector<64x768xbf16>
    %dot_general3A_184 = arith.constant dense<0.000000e+00> : vector<64x64xf32>
    %dot_general3A_185 = tpu.matmul %convert_element_type3A_183, %convert_element_type3A_183, %dot_general3A_184 {dimension_numbers = #tpu.dot_dimension_numbers<[1], [1], [0], [0], [0, 0, 1, 0], [], []>, transpose_lhs_hint = false} : vector<64x768xbf16>, vector<64x768xbf16>, vector<64x64xf32> -> vector<64x64xf32>
    %mul3A_186 = arith.constant 1.000000e+01 : f32
    %mul3A_187 = vector.broadcast %mul3A_186 : f32 to vector<64x64xf32>
    %mul3A_188 = arith.mulf %dot_general3A_185, %mul3A_187 : vector<64x64xf32>
    %reduce_max3A_189 = arith.constant dense<0xFF800000> : vector<64xf32>
    %reduce_max3A_190 = vector.multi_reduction <maximumf>, %mul3A_188, %reduce_max3A_189 [1] : vector<64x64xf32> to vector<64xf32>
    %max3A_191 = arith.constant 0xFF800000 : f32
    %max3A_192 = vector.broadcast %max3A_191 : f32 to vector<64xf32>
    %max3A_193 = arith.maximumf %max3A_192, %reduce_max3A_190 : vector<64xf32>
    %broadcast_in_dim3A_194 = vector.shape_cast %max3A_193 : vector<64xf32> to vector<64x1xf32>
    %sub3A_195 = vector.broadcast %broadcast_in_dim3A_194 : vector<64x1xf32> to vector<64x64xf32>
    %sub3A_196 = arith.subf %mul3A_188, %sub3A_195 : vector<64x64xf32>
    %exp3A_197 = math.exp %sub3A_196 : vector<64x64xf32>
    %reduce_sum3A_198 = arith.constant dense<0.000000e+00> : vector<64xf32>
    %reduce_sum3A_199 = vector.multi_reduction <add>, %exp3A_197, %reduce_sum3A_198 [1] : vector<64x64xf32> to vector<64xf32>
    %broadcast_in_dim3A_200 = vector.shape_cast %reduce_sum3A_199 : vector<64xf32> to vector<64x1xf32>
    %div3A_201 = vector.broadcast %broadcast_in_dim3A_200 : vector<64x1xf32> to vector<64x64xf32>
    %div3A_202 = arith.divf %exp3A_197, %div3A_201 : vector<64x64xf32>
    %get3A_203 = arith.constant 5 : index
    %get3A_204 = arith.constant 0 : index
    %get3A_205 = arith.constant 0 : index
    %get3A_206 = vector.load %arg2[%get3A_203, %get3A_204, %get3A_205] : memref<8x1x64xf32, #tpu.memory_space<vmem>>, vector<1x1x64xf32>
    %get3A_207 = vector.shape_cast %get3A_206 : vector<1x1x64xf32> to vector<64xf32>
    %get3A_208 = arith.constant 5 : index
    %get3A_209 = arith.constant 0 : index
    %get3A_210 = arith.constant 0 : index
    %get3A_211 = vector.load %arg1[%get3A_208, %get3A_209, %get3A_210] : memref<8x64x768xf32, #tpu.memory_space<vmem>>, vector<1x64x768xf32>
    %get3A_212 = vector.shape_cast %get3A_211 : vector<1x64x768xf32> to vector<64x768xf32>
    %broadcast_in_dim3A_213 = vector.shape_cast %get3A_207 : vector<64xf32> to vector<64x1xf32>
    %mul3A_214 = vector.broadcast %broadcast_in_dim3A_213 : vector<64x1xf32> to vector<64x768xf32>
    %mul3A_215 = arith.mulf %get3A_212, %mul3A_214 : vector<64x768xf32>
    %mul3A_216 = arith.mulf %mul3A_215, %mul3A_215 : vector<64x768xf32>
    %reduce_sum3A_217 = arith.constant dense<0.000000e+00> : vector<64xf32>
    %reduce_sum3A_218 = vector.multi_reduction <add>, %mul3A_216, %reduce_sum3A_217 [1] : vector<64x768xf32> to vector<64xf32>
    %broadcast_in_dim3A_219 = vector.shape_cast %reduce_sum3A_218 : vector<64xf32> to vector<64x1xf32>
    %sqrt3A_220 = math.sqrt %broadcast_in_dim3A_219 : vector<64x1xf32>
    %max3A_221 = arith.constant 9.99999996E-13 : f32
    %max3A_222 = vector.broadcast %max3A_221 : f32 to vector<64x1xf32>
    %max3A_223 = arith.maximumf %sqrt3A_220, %max3A_222 : vector<64x1xf32>
    %div3A_224 = vector.broadcast %max3A_223 : vector<64x1xf32> to vector<64x768xf32>
    %div3A_225 = arith.divf %mul3A_215, %div3A_224 : vector<64x768xf32>
    %convert_element_type3A_226 = arith.truncf %div3A_225 : vector<64x768xf32> to vector<64x768xbf16>
    %dot_general3A_227 = arith.constant dense<0.000000e+00> : vector<64x64xf32>
    %dot_general3A_228 = tpu.matmul %convert_element_type3A_226, %convert_element_type3A_226, %dot_general3A_227 {dimension_numbers = #tpu.dot_dimension_numbers<[1], [1], [0], [0], [0, 0, 1, 0], [], []>, transpose_lhs_hint = false} : vector<64x768xbf16>, vector<64x768xbf16>, vector<64x64xf32> -> vector<64x64xf32>
    %mul3A_229 = arith.constant 1.000000e+01 : f32
    %mul3A_230 = vector.broadcast %mul3A_229 : f32 to vector<64x64xf32>
    %mul3A_231 = arith.mulf %dot_general3A_228, %mul3A_230 : vector<64x64xf32>
    %reduce_max3A_232 = arith.constant dense<0xFF800000> : vector<64xf32>
    %reduce_max3A_233 = vector.multi_reduction <maximumf>, %mul3A_231, %reduce_max3A_232 [1] : vector<64x64xf32> to vector<64xf32>
    %max3A_234 = arith.constant 0xFF800000 : f32
    %max3A_235 = vector.broadcast %max3A_234 : f32 to vector<64xf32>
    %max3A_236 = arith.maximumf %max3A_235, %reduce_max3A_233 : vector<64xf32>
    %broadcast_in_dim3A_237 = vector.shape_cast %max3A_236 : vector<64xf32> to vector<64x1xf32>
    %sub3A_238 = vector.broadcast %broadcast_in_dim3A_237 : vector<64x1xf32> to vector<64x64xf32>
    %sub3A_239 = arith.subf %mul3A_231, %sub3A_238 : vector<64x64xf32>
    %exp3A_240 = math.exp %sub3A_239 : vector<64x64xf32>
    %reduce_sum3A_241 = arith.constant dense<0.000000e+00> : vector<64xf32>
    %reduce_sum3A_242 = vector.multi_reduction <add>, %exp3A_240, %reduce_sum3A_241 [1] : vector<64x64xf32> to vector<64xf32>
    %broadcast_in_dim3A_243 = vector.shape_cast %reduce_sum3A_242 : vector<64xf32> to vector<64x1xf32>
    %div3A_244 = vector.broadcast %broadcast_in_dim3A_243 : vector<64x1xf32> to vector<64x64xf32>
    %div3A_245 = arith.divf %exp3A_240, %div3A_244 : vector<64x64xf32>
    %get3A_246 = arith.constant 6 : index
    %get3A_247 = arith.constant 0 : index
    %get3A_248 = arith.constant 0 : index
    %get3A_249 = vector.load %arg2[%get3A_246, %get3A_247, %get3A_248] : memref<8x1x64xf32, #tpu.memory_space<vmem>>, vector<1x1x64xf32>
    %get3A_250 = vector.shape_cast %get3A_249 : vector<1x1x64xf32> to vector<64xf32>
    %get3A_251 = arith.constant 6 : index
    %get3A_252 = arith.constant 0 : index
    %get3A_253 = arith.constant 0 : index
    %get3A_254 = vector.load %arg1[%get3A_251, %get3A_252, %get3A_253] : memref<8x64x768xf32, #tpu.memory_space<vmem>>, vector<1x64x768xf32>
    %get3A_255 = vector.shape_cast %get3A_254 : vector<1x64x768xf32> to vector<64x768xf32>
    %broadcast_in_dim3A_256 = vector.shape_cast %get3A_250 : vector<64xf32> to vector<64x1xf32>
    %mul3A_257 = vector.broadcast %broadcast_in_dim3A_256 : vector<64x1xf32> to vector<64x768xf32>
    %mul3A_258 = arith.mulf %get3A_255, %mul3A_257 : vector<64x768xf32>
    %mul3A_259 = arith.mulf %mul3A_258, %mul3A_258 : vector<64x768xf32>
    %reduce_sum3A_260 = arith.constant dense<0.000000e+00> : vector<64xf32>
    %reduce_sum3A_261 = vector.multi_reduction <add>, %mul3A_259, %reduce_sum3A_260 [1] : vector<64x768xf32> to vector<64xf32>
    %broadcast_in_dim3A_262 = vector.shape_cast %reduce_sum3A_261 : vector<64xf32> to vector<64x1xf32>
    %sqrt3A_263 = math.sqrt %broadcast_in_dim3A_262 : vector<64x1xf32>
    %max3A_264 = arith.constant 9.99999996E-13 : f32
    %max3A_265 = vector.broadcast %max3A_264 : f32 to vector<64x1xf32>
    %max3A_266 = arith.maximumf %sqrt3A_263, %max3A_265 : vector<64x1xf32>
    %div3A_267 = vector.broadcast %max3A_266 : vector<64x1xf32> to vector<64x768xf32>
    %div3A_268 = arith.divf %mul3A_258, %div3A_267 : vector<64x768xf32>
    %convert_element_type3A_269 = arith.truncf %div3A_268 : vector<64x768xf32> to vector<64x768xbf16>
    %dot_general3A_270 = arith.constant dense<0.000000e+00> : vector<64x64xf32>
    %dot_general3A_271 = tpu.matmul %convert_element_type3A_269, %convert_element_type3A_269, %dot_general3A_270 {dimension_numbers = #tpu.dot_dimension_numbers<[1], [1], [0], [0], [0, 0, 1, 0], [], []>, transpose_lhs_hint = false} : vector<64x768xbf16>, vector<64x768xbf16>, vector<64x64xf32> -> vector<64x64xf32>
    %mul3A_272 = arith.constant 1.000000e+01 : f32
    %mul3A_273 = vector.broadcast %mul3A_272 : f32 to vector<64x64xf32>
    %mul3A_274 = arith.mulf %dot_general3A_271, %mul3A_273 : vector<64x64xf32>
    %reduce_max3A_275 = arith.constant dense<0xFF800000> : vector<64xf32>
    %reduce_max3A_276 = vector.multi_reduction <maximumf>, %mul3A_274, %reduce_max3A_275 [1] : vector<64x64xf32> to vector<64xf32>
    %max3A_277 = arith.constant 0xFF800000 : f32
    %max3A_278 = vector.broadcast %max3A_277 : f32 to vector<64xf32>
    %max3A_279 = arith.maximumf %max3A_278, %reduce_max3A_276 : vector<64xf32>
    %broadcast_in_dim3A_280 = vector.shape_cast %max3A_279 : vector<64xf32> to vector<64x1xf32>
    %sub3A_281 = vector.broadcast %broadcast_in_dim3A_280 : vector<64x1xf32> to vector<64x64xf32>
    %sub3A_282 = arith.subf %mul3A_274, %sub3A_281 : vector<64x64xf32>
    %exp3A_283 = math.exp %sub3A_282 : vector<64x64xf32>
    %reduce_sum3A_284 = arith.constant dense<0.000000e+00> : vector<64xf32>
    %reduce_sum3A_285 = vector.multi_reduction <add>, %exp3A_283, %reduce_sum3A_284 [1] : vector<64x64xf32> to vector<64xf32>
    %broadcast_in_dim3A_286 = vector.shape_cast %reduce_sum3A_285 : vector<64xf32> to vector<64x1xf32>
    %div3A_287 = vector.broadcast %broadcast_in_dim3A_286 : vector<64x1xf32> to vector<64x64xf32>
    %div3A_288 = arith.divf %exp3A_283, %div3A_287 : vector<64x64xf32>
    %get3A_289 = arith.constant 7 : index
    %get3A_290 = arith.constant 0 : index
    %get3A_291 = arith.constant 0 : index
    %get3A_292 = vector.load %arg2[%get3A_289, %get3A_290, %get3A_291] : memref<8x1x64xf32, #tpu.memory_space<vmem>>, vector<1x1x64xf32>
    %get3A_293 = vector.shape_cast %get3A_292 : vector<1x1x64xf32> to vector<64xf32>
    %get3A_294 = arith.constant 7 : index
    %get3A_295 = arith.constant 0 : index
    %get3A_296 = arith.constant 0 : index
    %get3A_297 = vector.load %arg1[%get3A_294, %get3A_295, %get3A_296] : memref<8x64x768xf32, #tpu.memory_space<vmem>>, vector<1x64x768xf32>
    %get3A_298 = vector.shape_cast %get3A_297 : vector<1x64x768xf32> to vector<64x768xf32>
    %broadcast_in_dim3A_299 = vector.shape_cast %get3A_293 : vector<64xf32> to vector<64x1xf32>
    %mul3A_300 = vector.broadcast %broadcast_in_dim3A_299 : vector<64x1xf32> to vector<64x768xf32>
    %mul3A_301 = arith.mulf %get3A_298, %mul3A_300 : vector<64x768xf32>
    %mul3A_302 = arith.mulf %mul3A_301, %mul3A_301 : vector<64x768xf32>
    %reduce_sum3A_303 = arith.constant dense<0.000000e+00> : vector<64xf32>
    %reduce_sum3A_304 = vector.multi_reduction <add>, %mul3A_302, %reduce_sum3A_303 [1] : vector<64x768xf32> to vector<64xf32>
    %broadcast_in_dim3A_305 = vector.shape_cast %reduce_sum3A_304 : vector<64xf32> to vector<64x1xf32>
    %sqrt3A_306 = math.sqrt %broadcast_in_dim3A_305 : vector<64x1xf32>
    %max3A_307 = arith.constant 9.99999996E-13 : f32
    %max3A_308 = vector.broadcast %max3A_307 : f32 to vector<64x1xf32>
    %max3A_309 = arith.maximumf %sqrt3A_306, %max3A_308 : vector<64x1xf32>
    %div3A_310 = vector.broadcast %max3A_309 : vector<64x1xf32> to vector<64x768xf32>
    %div3A_311 = arith.divf %mul3A_301, %div3A_310 : vector<64x768xf32>
    %convert_element_type3A_312 = arith.truncf %div3A_311 : vector<64x768xf32> to vector<64x768xbf16>
    %dot_general3A_313 = arith.constant dense<0.000000e+00> : vector<64x64xf32>
    %dot_general3A_314 = tpu.matmul %convert_element_type3A_312, %convert_element_type3A_312, %dot_general3A_313 {dimension_numbers = #tpu.dot_dimension_numbers<[1], [1], [0], [0], [0, 0, 1, 0], [], []>, transpose_lhs_hint = false} : vector<64x768xbf16>, vector<64x768xbf16>, vector<64x64xf32> -> vector<64x64xf32>
    %mul3A_315 = arith.constant 1.000000e+01 : f32
    %mul3A_316 = vector.broadcast %mul3A_315 : f32 to vector<64x64xf32>
    %mul3A_317 = arith.mulf %dot_general3A_314, %mul3A_316 : vector<64x64xf32>
    %reduce_max3A_318 = arith.constant dense<0xFF800000> : vector<64xf32>
    %reduce_max3A_319 = vector.multi_reduction <maximumf>, %mul3A_317, %reduce_max3A_318 [1] : vector<64x64xf32> to vector<64xf32>
    %max3A_320 = arith.constant 0xFF800000 : f32
    %max3A_321 = vector.broadcast %max3A_320 : f32 to vector<64xf32>
    %max3A_322 = arith.maximumf %max3A_321, %reduce_max3A_319 : vector<64xf32>
    %broadcast_in_dim3A_323 = vector.shape_cast %max3A_322 : vector<64xf32> to vector<64x1xf32>
    %sub3A_324 = vector.broadcast %broadcast_in_dim3A_323 : vector<64x1xf32> to vector<64x64xf32>
    %sub3A_325 = arith.subf %mul3A_317, %sub3A_324 : vector<64x64xf32>
    %exp3A_326 = math.exp %sub3A_325 : vector<64x64xf32>
    %reduce_sum3A_327 = arith.constant dense<0.000000e+00> : vector<64xf32>
    %reduce_sum3A_328 = vector.multi_reduction <add>, %exp3A_326, %reduce_sum3A_327 [1] : vector<64x64xf32> to vector<64xf32>
    %broadcast_in_dim3A_329 = vector.shape_cast %reduce_sum3A_328 : vector<64xf32> to vector<64x1xf32>
    %div3A_330 = vector.broadcast %broadcast_in_dim3A_329 : vector<64x1xf32> to vector<64x64xf32>
    %div3A_331 = arith.divf %exp3A_326, %div3A_330 : vector<64x64xf32>
    %concatenate3A = tpu.concatenate %mul3A_9, %mul3A_43, %mul3A_86, %mul3A_129, %mul3A_172, %mul3A_215, %mul3A_258, %mul3A_301 in 0 : vector<64x768xf32>, vector<64x768xf32>, vector<64x768xf32>, vector<64x768xf32>, vector<64x768xf32>, vector<64x768xf32>, vector<64x768xf32>, vector<64x768xf32> -> vector<512x768xf32>
    %convert_element_type3A_332 = arith.truncf %concatenate3A : vector<512x768xf32> to vector<512x768xbf16>
    %convert_element_type3A_333 = arith.truncf %div3A_30 : vector<64x64xf32> to vector<64x64xbf16>
    %slice3A = vector.extract_strided_slice %convert_element_type3A_332 {offsets = [0, 0], sizes = [64, 768], strides = [1, 1]} : vector<512x768xbf16> to vector<64x768xbf16>
    %dot_general3A_334 = arith.constant dense<0.000000e+00> : vector<64x768xf32>
    %dot_general3A_335 = tpu.matmul %convert_element_type3A_333, %slice3A, %dot_general3A_334 {dimension_numbers = #tpu.dot_dimension_numbers<[1], [0], [0], [1], [0, 0, 1, 1], [], []>, transpose_lhs_hint = false} : vector<64x64xbf16>, vector<64x768xbf16>, vector<64x768xf32> -> vector<64x768xf32>
    %convert_element_type3A_336 = arith.truncf %div3A_73 : vector<64x64xf32> to vector<64x64xbf16>
    %slice3A_337 = vector.extract_strided_slice %convert_element_type3A_332 {offsets = [64, 0], sizes = [64, 768], strides = [1, 1]} : vector<512x768xbf16> to vector<64x768xbf16>
    %dot_general3A_338 = arith.constant dense<0.000000e+00> : vector<64x768xf32>
    %dot_general3A_339 = tpu.matmul %convert_element_type3A_336, %slice3A_337, %dot_general3A_338 {dimension_numbers = #tpu.dot_dimension_numbers<[1], [0], [0], [1], [0, 0, 1, 1], [], []>, transpose_lhs_hint = false} : vector<64x64xbf16>, vector<64x768xbf16>, vector<64x768xf32> -> vector<64x768xf32>
    %convert_element_type3A_340 = arith.truncf %div3A_116 : vector<64x64xf32> to vector<64x64xbf16>
    %slice3A_341 = vector.extract_strided_slice %convert_element_type3A_332 {offsets = [128, 0], sizes = [64, 768], strides = [1, 1]} : vector<512x768xbf16> to vector<64x768xbf16>
    %dot_general3A_342 = arith.constant dense<0.000000e+00> : vector<64x768xf32>
    %dot_general3A_343 = tpu.matmul %convert_element_type3A_340, %slice3A_341, %dot_general3A_342 {dimension_numbers = #tpu.dot_dimension_numbers<[1], [0], [0], [1], [0, 0, 1, 1], [], []>, transpose_lhs_hint = false} : vector<64x64xbf16>, vector<64x768xbf16>, vector<64x768xf32> -> vector<64x768xf32>
    %convert_element_type3A_344 = arith.truncf %div3A_159 : vector<64x64xf32> to vector<64x64xbf16>
    %slice3A_345 = vector.extract_strided_slice %convert_element_type3A_332 {offsets = [192, 0], sizes = [64, 768], strides = [1, 1]} : vector<512x768xbf16> to vector<64x768xbf16>
    %dot_general3A_346 = arith.constant dense<0.000000e+00> : vector<64x768xf32>
    %dot_general3A_347 = tpu.matmul %convert_element_type3A_344, %slice3A_345, %dot_general3A_346 {dimension_numbers = #tpu.dot_dimension_numbers<[1], [0], [0], [1], [0, 0, 1, 1], [], []>, transpose_lhs_hint = false} : vector<64x64xbf16>, vector<64x768xbf16>, vector<64x768xf32> -> vector<64x768xf32>
    %convert_element_type3A_348 = arith.truncf %div3A_202 : vector<64x64xf32> to vector<64x64xbf16>
    %slice3A_349 = vector.extract_strided_slice %convert_element_type3A_332 {offsets = [256, 0], sizes = [64, 768], strides = [1, 1]} : vector<512x768xbf16> to vector<64x768xbf16>
    %dot_general3A_350 = arith.constant dense<0.000000e+00> : vector<64x768xf32>
    %dot_general3A_351 = tpu.matmul %convert_element_type3A_348, %slice3A_349, %dot_general3A_350 {dimension_numbers = #tpu.dot_dimension_numbers<[1], [0], [0], [1], [0, 0, 1, 1], [], []>, transpose_lhs_hint = false} : vector<64x64xbf16>, vector<64x768xbf16>, vector<64x768xf32> -> vector<64x768xf32>
    %convert_element_type3A_352 = arith.truncf %div3A_245 : vector<64x64xf32> to vector<64x64xbf16>
    %slice3A_353 = vector.extract_strided_slice %convert_element_type3A_332 {offsets = [320, 0], sizes = [64, 768], strides = [1, 1]} : vector<512x768xbf16> to vector<64x768xbf16>
    %dot_general3A_354 = arith.constant dense<0.000000e+00> : vector<64x768xf32>
    %dot_general3A_355 = tpu.matmul %convert_element_type3A_352, %slice3A_353, %dot_general3A_354 {dimension_numbers = #tpu.dot_dimension_numbers<[1], [0], [0], [1], [0, 0, 1, 1], [], []>, transpose_lhs_hint = false} : vector<64x64xbf16>, vector<64x768xbf16>, vector<64x768xf32> -> vector<64x768xf32>
    %convert_element_type3A_356 = arith.truncf %div3A_288 : vector<64x64xf32> to vector<64x64xbf16>
    %slice3A_357 = vector.extract_strided_slice %convert_element_type3A_332 {offsets = [384, 0], sizes = [64, 768], strides = [1, 1]} : vector<512x768xbf16> to vector<64x768xbf16>
    %dot_general3A_358 = arith.constant dense<0.000000e+00> : vector<64x768xf32>
    %dot_general3A_359 = tpu.matmul %convert_element_type3A_356, %slice3A_357, %dot_general3A_358 {dimension_numbers = #tpu.dot_dimension_numbers<[1], [0], [0], [1], [0, 0, 1, 1], [], []>, transpose_lhs_hint = false} : vector<64x64xbf16>, vector<64x768xbf16>, vector<64x768xf32> -> vector<64x768xf32>
    %convert_element_type3A_360 = arith.truncf %div3A_331 : vector<64x64xf32> to vector<64x64xbf16>
    %slice3A_361 = vector.extract_strided_slice %convert_element_type3A_332 {offsets = [448, 0], sizes = [64, 768], strides = [1, 1]} : vector<512x768xbf16> to vector<64x768xbf16>
    %dot_general3A_362 = arith.constant dense<0.000000e+00> : vector<64x768xf32>
    %dot_general3A_363 = tpu.matmul %convert_element_type3A_360, %slice3A_361, %dot_general3A_362 {dimension_numbers = #tpu.dot_dimension_numbers<[1], [0], [0], [1], [0, 0, 1, 1], [], []>, transpose_lhs_hint = false} : vector<64x64xbf16>, vector<64x768xbf16>, vector<64x768xf32> -> vector<64x768xf32>
    %concatenate3A_364 = tpu.concatenate %dot_general3A_335, %dot_general3A_339, %dot_general3A_343, %dot_general3A_347, %dot_general3A_351, %dot_general3A_355, %dot_general3A_359, %dot_general3A_363 in 0 : vector<64x768xf32>, vector<64x768xf32>, vector<64x768xf32>, vector<64x768xf32>, vector<64x768xf32>, vector<64x768xf32>, vector<64x768xf32>, vector<64x768xf32> -> vector<512x768xf32>
    %convert_element_type3A_365 = arith.truncf %concatenate3A_364 : vector<512x768xf32> to vector<512x768xbf16>
    %get3A_366 = arith.constant 0 : index
    %get3A_367 = arith.constant 0 : index
    %get3A_368 = vector.load %arg4[%get3A_366, %get3A_367] : memref<768x768xf32, #tpu.memory_space<vmem>>, vector<768x768xf32>
    %convert_element_type3A_369 = arith.truncf %get3A_368 : vector<768x768xf32> to vector<768x768xbf16>
    %dot_general3A_370 = arith.constant dense<0.000000e+00> : vector<512x768xf32>
    %dot_general3A_371 = tpu.matmul %convert_element_type3A_365, %convert_element_type3A_369, %dot_general3A_370 {dimension_numbers = #tpu.dot_dimension_numbers<[1], [0], [0], [1], [0, 0, 1, 1], [], []>, transpose_lhs_hint = false} : vector<512x768xbf16>, vector<768x768xbf16>, vector<512x768xf32> -> vector<512x768xf32>
    %get3A_372 = arith.constant 0 : index
    %get3A_373 = arith.constant 0 : index
    %get3A_374 = vector.load %arg5[%get3A_372, %get3A_373] : memref<1x768xf32, #tpu.memory_space<vmem>>, vector<1x768xf32>
    %add3A = vector.broadcast %get3A_374 : vector<1x768xf32> to vector<512x768xf32>
    %add3A_375 = arith.addf %dot_general3A_371, %add3A : vector<512x768xf32>
    %get3A_376 = arith.constant 0 : index
    %get3A_377 = arith.constant 0 : index
    %get3A_378 = vector.load %arg6[%get3A_376, %get3A_377] : memref<1x768xf32, #tpu.memory_space<vmem>>, vector<1x768xf32>
    %get3A_379 = arith.constant 0 : index
    %get3A_380 = arith.constant 0 : index
    %get3A_381 = vector.load %arg7[%get3A_379, %get3A_380] : memref<1x768xf32, #tpu.memory_space<vmem>>, vector<1x768xf32>
    %reduce_sum3A_382 = arith.constant dense<0.000000e+00> : vector<512xf32>
    %reduce_sum3A_383 = vector.multi_reduction <add>, %add3A_375, %reduce_sum3A_382 [1] : vector<512x768xf32> to vector<512xf32>
    %broadcast_in_dim3A_384 = vector.shape_cast %reduce_sum3A_383 : vector<512xf32> to vector<512x1xf32>
    %div3A_385 = arith.constant 7.680000e+02 : f32
    %div3A_386 = vector.broadcast %div3A_385 : f32 to vector<512x1xf32>
    %div3A_387 = arith.divf %broadcast_in_dim3A_384, %div3A_386 : vector<512x1xf32>
    %sub3A_388 = vector.broadcast %div3A_387 : vector<512x1xf32> to vector<512x768xf32>
    %sub3A_389 = arith.subf %add3A_375, %sub3A_388 : vector<512x768xf32>
    %integer_pow3A = arith.mulf %sub3A_389, %sub3A_389 : vector<512x768xf32>
    %reduce_sum3A_390 = arith.constant dense<0.000000e+00> : vector<512xf32>
    %reduce_sum3A_391 = vector.multi_reduction <add>, %integer_pow3A, %reduce_sum3A_390 [1] : vector<512x768xf32> to vector<512xf32>
    %broadcast_in_dim3A_392 = vector.shape_cast %reduce_sum3A_391 : vector<512xf32> to vector<512x1xf32>
    %div3A_393 = arith.constant 7.680000e+02 : f32
    %div3A_394 = vector.broadcast %div3A_393 : f32 to vector<512x1xf32>
    %div3A_395 = arith.divf %broadcast_in_dim3A_392, %div3A_394 : vector<512x1xf32>
    %sub3A_396 = vector.broadcast %div3A_387 : vector<512x1xf32> to vector<512x768xf32>
    %sub3A_397 = arith.subf %add3A_375, %sub3A_396 : vector<512x768xf32>
    %add3A_398 = arith.constant 9.99999974E-6 : f32
    %add3A_399 = vector.broadcast %add3A_398 : f32 to vector<512x1xf32>
    %add3A_400 = arith.addf %div3A_395, %add3A_399 : vector<512x1xf32>
    %sqrt3A_401 = math.sqrt %add3A_400 : vector<512x1xf32>
    %div3A_402 = vector.broadcast %sqrt3A_401 : vector<512x1xf32> to vector<512x768xf32>
    %div3A_403 = arith.divf %sub3A_397, %div3A_402 : vector<512x768xf32>
    %mul3A_404 = vector.broadcast %get3A_378 : vector<1x768xf32> to vector<512x768xf32>
    %mul3A_405 = arith.mulf %div3A_403, %mul3A_404 : vector<512x768xf32>
    %add3A_406 = vector.broadcast %get3A_381 : vector<1x768xf32> to vector<512x768xf32>
    %add3A_407 = arith.addf %mul3A_405, %add3A_406 : vector<512x768xf32>
    %max3A_408 = arith.constant 0.000000e+00 : f32
    %max3A_409 = vector.broadcast %max3A_408 : f32 to vector<512x768xf32>
    %max3A_410 = arith.maximumf %add3A_407, %max3A_409 : vector<512x768xf32>
    %add3A_411 = arith.addf %concatenate3A, %max3A_410 : vector<512x768xf32>
    %convert_element_type3A_412 = arith.truncf %add3A_411 : vector<512x768xf32> to vector<512x768xbf16>
    %convert_element_type3A_413 = arith.truncf %div3A_30 : vector<64x64xf32> to vector<64x64xbf16>
    %slice3A_414 = vector.extract_strided_slice %convert_element_type3A_412 {offsets = [0, 0], sizes = [64, 768], strides = [1, 1]} : vector<512x768xbf16> to vector<64x768xbf16>
    %dot_general3A_415 = arith.constant dense<0.000000e+00> : vector<64x768xf32>
    %dot_general3A_416 = tpu.matmul %convert_element_type3A_413, %slice3A_414, %dot_general3A_415 {dimension_numbers = #tpu.dot_dimension_numbers<[1], [0], [0], [1], [0, 0, 1, 1], [], []>, transpose_lhs_hint = false} : vector<64x64xbf16>, vector<64x768xbf16>, vector<64x768xf32> -> vector<64x768xf32>
    %convert_element_type3A_417 = arith.truncf %div3A_73 : vector<64x64xf32> to vector<64x64xbf16>
    %slice3A_418 = vector.extract_strided_slice %convert_element_type3A_412 {offsets = [64, 0], sizes = [64, 768], strides = [1, 1]} : vector<512x768xbf16> to vector<64x768xbf16>
    %dot_general3A_419 = arith.constant dense<0.000000e+00> : vector<64x768xf32>
    %dot_general3A_420 = tpu.matmul %convert_element_type3A_417, %slice3A_418, %dot_general3A_419 {dimension_numbers = #tpu.dot_dimension_numbers<[1], [0], [0], [1], [0, 0, 1, 1], [], []>, transpose_lhs_hint = false} : vector<64x64xbf16>, vector<64x768xbf16>, vector<64x768xf32> -> vector<64x768xf32>
    %convert_element_type3A_421 = arith.truncf %div3A_116 : vector<64x64xf32> to vector<64x64xbf16>
    %slice3A_422 = vector.extract_strided_slice %convert_element_type3A_412 {offsets = [128, 0], sizes = [64, 768], strides = [1, 1]} : vector<512x768xbf16> to vector<64x768xbf16>
    %dot_general3A_423 = arith.constant dense<0.000000e+00> : vector<64x768xf32>
    %dot_general3A_424 = tpu.matmul %convert_element_type3A_421, %slice3A_422, %dot_general3A_423 {dimension_numbers = #tpu.dot_dimension_numbers<[1], [0], [0], [1], [0, 0, 1, 1], [], []>, transpose_lhs_hint = false} : vector<64x64xbf16>, vector<64x768xbf16>, vector<64x768xf32> -> vector<64x768xf32>
    %convert_element_type3A_425 = arith.truncf %div3A_159 : vector<64x64xf32> to vector<64x64xbf16>
    %slice3A_426 = vector.extract_strided_slice %convert_element_type3A_412 {offsets = [192, 0], sizes = [64, 768], strides = [1, 1]} : vector<512x768xbf16> to vector<64x768xbf16>
    %dot_general3A_427 = arith.constant dense<0.000000e+00> : vector<64x768xf32>
    %dot_general3A_428 = tpu.matmul %convert_element_type3A_425, %slice3A_426, %dot_general3A_427 {dimension_numbers = #tpu.dot_dimension_numbers<[1], [0], [0], [1], [0, 0, 1, 1], [], []>, transpose_lhs_hint = false} : vector<64x64xbf16>, vector<64x768xbf16>, vector<64x768xf32> -> vector<64x768xf32>
    %convert_element_type3A_429 = arith.truncf %div3A_202 : vector<64x64xf32> to vector<64x64xbf16>
    %slice3A_430 = vector.extract_strided_slice %convert_element_type3A_412 {offsets = [256, 0], sizes = [64, 768], strides = [1, 1]} : vector<512x768xbf16> to vector<64x768xbf16>
    %dot_general3A_431 = arith.constant dense<0.000000e+00> : vector<64x768xf32>
    %dot_general3A_432 = tpu.matmul %convert_element_type3A_429, %slice3A_430, %dot_general3A_431 {dimension_numbers = #tpu.dot_dimension_numbers<[1], [0], [0], [1], [0, 0, 1, 1], [], []>, transpose_lhs_hint = false} : vector<64x64xbf16>, vector<64x768xbf16>, vector<64x768xf32> -> vector<64x768xf32>
    %convert_element_type3A_433 = arith.truncf %div3A_245 : vector<64x64xf32> to vector<64x64xbf16>
    %slice3A_434 = vector.extract_strided_slice %convert_element_type3A_412 {offsets = [320, 0], sizes = [64, 768], strides = [1, 1]} : vector<512x768xbf16> to vector<64x768xbf16>
    %dot_general3A_435 = arith.constant dense<0.000000e+00> : vector<64x768xf32>
    %dot_general3A_436 = tpu.matmul %convert_element_type3A_433, %slice3A_434, %dot_general3A_435 {dimension_numbers = #tpu.dot_dimension_numbers<[1], [0], [0], [1], [0, 0, 1, 1], [], []>, transpose_lhs_hint = false} : vector<64x64xbf16>, vector<64x768xbf16>, vector<64x768xf32> -> vector<64x768xf32>
    %convert_element_type3A_437 = arith.truncf %div3A_288 : vector<64x64xf32> to vector<64x64xbf16>
    %slice3A_438 = vector.extract_strided_slice %convert_element_type3A_412 {offsets = [384, 0], sizes = [64, 768], strides = [1, 1]} : vector<512x768xbf16> to vector<64x768xbf16>
    %dot_general3A_439 = arith.constant dense<0.000000e+00> : vector<64x768xf32>
    %dot_general3A_440 = tpu.matmul %convert_element_type3A_437, %slice3A_438, %dot_general3A_439 {dimension_numbers = #tpu.dot_dimension_numbers<[1], [0], [0], [1], [0, 0, 1, 1], [], []>, transpose_lhs_hint = false} : vector<64x64xbf16>, vector<64x768xbf16>, vector<64x768xf32> -> vector<64x768xf32>
    %convert_element_type3A_441 = arith.truncf %div3A_331 : vector<64x64xf32> to vector<64x64xbf16>
    %slice3A_442 = vector.extract_strided_slice %convert_element_type3A_412 {offsets = [448, 0], sizes = [64, 768], strides = [1, 1]} : vector<512x768xbf16> to vector<64x768xbf16>
    %dot_general3A_443 = arith.constant dense<0.000000e+00> : vector<64x768xf32>
    %dot_general3A_444 = tpu.matmul %convert_element_type3A_441, %slice3A_442, %dot_general3A_443 {dimension_numbers = #tpu.dot_dimension_numbers<[1], [0], [0], [1], [0, 0, 1, 1], [], []>, transpose_lhs_hint = false} : vector<64x64xbf16>, vector<64x768xbf16>, vector<64x768xf32> -> vector<64x768xf32>
    %concatenate3A_445 = tpu.concatenate %dot_general3A_416, %dot_general3A_420, %dot_general3A_424, %dot_general3A_428, %dot_general3A_432, %dot_general3A_436, %dot_general3A_440, %dot_general3A_444 in 0 : vector<64x768xf32>, vector<64x768xf32>, vector<64x768xf32>, vector<64x768xf32>, vector<64x768xf32>, vector<64x768xf32>, vector<64x768xf32>, vector<64x768xf32> -> vector<512x768xf32>
    %convert_element_type3A_446 = arith.truncf %concatenate3A_445 : vector<512x768xf32> to vector<512x768xbf16>
    %get3A_447 = arith.constant 0 : index
    %get3A_448 = arith.constant 0 : index
    %get3A_449 = vector.load %arg8[%get3A_447, %get3A_448] : memref<768x768xf32, #tpu.memory_space<vmem>>, vector<768x768xf32>
    %convert_element_type3A_450 = arith.truncf %get3A_449 : vector<768x768xf32> to vector<768x768xbf16>
    %dot_general3A_451 = arith.constant dense<0.000000e+00> : vector<512x768xf32>
    %dot_general3A_452 = tpu.matmul %convert_element_type3A_446, %convert_element_type3A_450, %dot_general3A_451 {dimension_numbers = #tpu.dot_dimension_numbers<[1], [0], [0], [1], [0, 0, 1, 1], [], []>, transpose_lhs_hint = false} : vector<512x768xbf16>, vector<768x768xbf16>, vector<512x768xf32> -> vector<512x768xf32>
    %get3A_453 = arith.constant 0 : index
    %get3A_454 = arith.constant 0 : index
    %get3A_455 = vector.load %arg9[%get3A_453, %get3A_454] : memref<1x768xf32, #tpu.memory_space<vmem>>, vector<1x768xf32>
    %add3A_456 = vector.broadcast %get3A_455 : vector<1x768xf32> to vector<512x768xf32>
    %add3A_457 = arith.addf %dot_general3A_452, %add3A_456 : vector<512x768xf32>
    %get3A_458 = arith.constant 0 : index
    %get3A_459 = arith.constant 0 : index
    %get3A_460 = vector.load %arg10[%get3A_458, %get3A_459] : memref<1x768xf32, #tpu.memory_space<vmem>>, vector<1x768xf32>
    %get3A_461 = arith.constant 0 : index
    %get3A_462 = arith.constant 0 : index
    %get3A_463 = vector.load %arg11[%get3A_461, %get3A_462] : memref<1x768xf32, #tpu.memory_space<vmem>>, vector<1x768xf32>
    %reduce_sum3A_464 = arith.constant dense<0.000000e+00> : vector<512xf32>
    %reduce_sum3A_465 = vector.multi_reduction <add>, %add3A_457, %reduce_sum3A_464 [1] : vector<512x768xf32> to vector<512xf32>
    %broadcast_in_dim3A_466 = vector.shape_cast %reduce_sum3A_465 : vector<512xf32> to vector<512x1xf32>
    %div3A_467 = arith.constant 7.680000e+02 : f32
    %div3A_468 = vector.broadcast %div3A_467 : f32 to vector<512x1xf32>
    %div3A_469 = arith.divf %broadcast_in_dim3A_466, %div3A_468 : vector<512x1xf32>
    %sub3A_470 = vector.broadcast %div3A_469 : vector<512x1xf32> to vector<512x768xf32>
    %sub3A_471 = arith.subf %add3A_457, %sub3A_470 : vector<512x768xf32>
    %integer_pow3A_472 = arith.mulf %sub3A_471, %sub3A_471 : vector<512x768xf32>
    %reduce_sum3A_473 = arith.constant dense<0.000000e+00> : vector<512xf32>
    %reduce_sum3A_474 = vector.multi_reduction <add>, %integer_pow3A_472, %reduce_sum3A_473 [1] : vector<512x768xf32> to vector<512xf32>
    %broadcast_in_dim3A_475 = vector.shape_cast %reduce_sum3A_474 : vector<512xf32> to vector<512x1xf32>
    %div3A_476 = arith.constant 7.680000e+02 : f32
    %div3A_477 = vector.broadcast %div3A_476 : f32 to vector<512x1xf32>
    %div3A_478 = arith.divf %broadcast_in_dim3A_475, %div3A_477 : vector<512x1xf32>
    %sub3A_479 = vector.broadcast %div3A_469 : vector<512x1xf32> to vector<512x768xf32>
    %sub3A_480 = arith.subf %add3A_457, %sub3A_479 : vector<512x768xf32>
    %add3A_481 = arith.constant 9.99999974E-6 : f32
    %add3A_482 = vector.broadcast %add3A_481 : f32 to vector<512x1xf32>
    %add3A_483 = arith.addf %div3A_478, %add3A_482 : vector<512x1xf32>
    %sqrt3A_484 = math.sqrt %add3A_483 : vector<512x1xf32>
    %div3A_485 = vector.broadcast %sqrt3A_484 : vector<512x1xf32> to vector<512x768xf32>
    %div3A_486 = arith.divf %sub3A_480, %div3A_485 : vector<512x768xf32>
    %mul3A_487 = vector.broadcast %get3A_460 : vector<1x768xf32> to vector<512x768xf32>
    %mul3A_488 = arith.mulf %div3A_486, %mul3A_487 : vector<512x768xf32>
    %add3A_489 = vector.broadcast %get3A_463 : vector<1x768xf32> to vector<512x768xf32>
    %add3A_490 = arith.addf %mul3A_488, %add3A_489 : vector<512x768xf32>
    %max3A_491 = arith.constant 0.000000e+00 : f32
    %max3A_492 = vector.broadcast %max3A_491 : f32 to vector<512x768xf32>
    %max3A_493 = arith.maximumf %add3A_490, %max3A_492 : vector<512x768xf32>
    %add3A_494 = arith.addf %add3A_411, %max3A_493 : vector<512x768xf32>
    %convert_element_type3A_495 = arith.truncf %add3A_494 : vector<512x768xf32> to vector<512x768xbf16>
    %get3A_496 = arith.constant 0 : index
    %get3A_497 = arith.constant 0 : index
    %get3A_498 = vector.load %arg12[%get3A_496, %get3A_497] : memref<768x768xf32, #tpu.memory_space<vmem>>, vector<768x768xf32>
    %convert_element_type3A_499 = arith.truncf %get3A_498 : vector<768x768xf32> to vector<768x768xbf16>
    %dot_general3A_500 = arith.constant dense<0.000000e+00> : vector<512x768xf32>
    %dot_general3A_501 = tpu.matmul %convert_element_type3A_495, %convert_element_type3A_499, %dot_general3A_500 {dimension_numbers = #tpu.dot_dimension_numbers<[1], [0], [0], [1], [0, 0, 1, 1], [], []>, transpose_lhs_hint = false} : vector<512x768xbf16>, vector<768x768xbf16>, vector<512x768xf32> -> vector<512x768xf32>
    %get3A_502 = arith.constant 0 : index
    %get3A_503 = arith.constant 0 : index
    %get3A_504 = vector.load %arg13[%get3A_502, %get3A_503] : memref<1x768xf32, #tpu.memory_space<vmem>>, vector<1x768xf32>
    %add3A_505 = vector.broadcast %get3A_504 : vector<1x768xf32> to vector<512x768xf32>
    %add3A_506 = arith.addf %dot_general3A_501, %add3A_505 : vector<512x768xf32>
    %get3A_507 = arith.constant 0 : index
    %get3A_508 = arith.constant 0 : index
    %get3A_509 = vector.load %arg14[%get3A_507, %get3A_508] : memref<768x768xf32, #tpu.memory_space<vmem>>, vector<768x768xf32>
    %convert_element_type3A_510 = arith.truncf %get3A_509 : vector<768x768xf32> to vector<768x768xbf16>
    %dot_general3A_511 = arith.constant dense<0.000000e+00> : vector<512x768xf32>
    %dot_general3A_512 = tpu.matmul %convert_element_type3A_495, %convert_element_type3A_510, %dot_general3A_511 {dimension_numbers = #tpu.dot_dimension_numbers<[1], [0], [0], [1], [0, 0, 1, 1], [], []>, transpose_lhs_hint = false} : vector<512x768xbf16>, vector<768x768xbf16>, vector<512x768xf32> -> vector<512x768xf32>
    %get3A_513 = arith.constant 0 : index
    %get3A_514 = arith.constant 0 : index
    %get3A_515 = vector.load %arg15[%get3A_513, %get3A_514] : memref<1x768xf32, #tpu.memory_space<vmem>>, vector<1x768xf32>
    %add3A_516 = vector.broadcast %get3A_515 : vector<1x768xf32> to vector<512x768xf32>
    %add3A_517 = arith.addf %dot_general3A_512, %add3A_516 : vector<512x768xf32>
    %get3A_518 = arith.constant 0 : index
    %get3A_519 = arith.constant 0 : index
    %get3A_520 = vector.load %arg3[%get3A_518, %get3A_519] : memref<32x768xf32, #tpu.memory_space<vmem>>, vector<32x768xf32>
    %iota3A = tpu.iota {dimensions = array<i32: 1>} : vector<1x768xi32>
    %jit3A = arith.constant 96 : i32
    %div3A_521 = vector.broadcast %jit3A : i32 to vector<1x768xi32>
    %div3A_522 = arith.divsi %iota3A, %div3A_521 : vector<1x768xi32>
    %sign3A = arith.constant 0 : i32
    %sign3A_523 = vector.broadcast %sign3A : i32 to vector<1x768xi32>
    %sign3A_524 = arith.cmpi sgt, %iota3A, %sign3A_523 : vector<1x768xi32>
    %sign3A_525 = arith.extui %sign3A_524 : vector<1x768xi1> to vector<1x768xi32>
    %sign3A_526 = arith.constant 0 : i32
    %sign3A_527 = vector.broadcast %sign3A_526 : i32 to vector<1x768xi32>
    %sign3A_528 = arith.cmpi slt, %iota3A, %sign3A_527 : vector<1x768xi32>
    %sign3A_529 = arith.extui %sign3A_528 : vector<1x768xi1> to vector<1x768xi32>
    %sign3A_530 = arith.subi %sign3A_525, %sign3A_529 : vector<1x768xi32>
    %sign3A_531 = arith.constant 0 : i32
    %sign3A_532 = arith.cmpi sgt, %jit3A, %sign3A_531 : i32
    %sign3A_533 = arith.extui %sign3A_532 : i1 to i32
    %sign3A_534 = arith.constant 0 : i32
    %sign3A_535 = arith.cmpi slt, %jit3A, %sign3A_534 : i32
    %sign3A_536 = arith.extui %sign3A_535 : i1 to i32
    %sign3A_537 = arith.subi %sign3A_533, %sign3A_536 : i32
    %ne3A = vector.broadcast %sign3A_537 : i32 to vector<1x768xi32>
    %ne3A_538 = arith.cmpi ne, %sign3A_530, %ne3A : vector<1x768xi32>
    %rem3A = vector.broadcast %jit3A : i32 to vector<1x768xi32>
    %rem3A_539 = arith.remsi %iota3A, %rem3A : vector<1x768xi32>
    %ne3A_540 = arith.constant 0 : i32
    %ne3A_541 = vector.broadcast %ne3A_540 : i32 to vector<1x768xi32>
    %ne3A_542 = arith.cmpi ne, %rem3A_539, %ne3A_541 : vector<1x768xi32>
    %and3A = arith.andi %ne3A_538, %ne3A_542 : vector<1x768xi1>
    %sub3A_543 = arith.constant 1 : i32
    %sub3A_544 = vector.broadcast %sub3A_543 : i32 to vector<1x768xi32>
    %sub3A_545 = arith.subi %div3A_522, %sub3A_544 : vector<1x768xi32>
    %select_n3A = arith.select %and3A, %sub3A_545, %div3A_522 : vector<1x768xi1>, vector<1x768xi32>
    %eq3A = arith.constant 0 : i32
    %eq3A_546 = vector.broadcast %eq3A : i32 to vector<1x768xi32>
    %eq3A_547 = arith.cmpi eq, %select_n3A, %eq3A_546 : vector<1x768xi32>
    %convert_element_type3A_548 = arith.extui %eq3A_547 : vector<1x768xi1> to vector<1x768xi32>
    %convert_element_type3A_549 = arith.sitofp %convert_element_type3A_548 : vector<1x768xi32> to vector<1x768xf32>
    %mul3A_550 = vector.broadcast %convert_element_type3A_549 : vector<1x768xf32> to vector<32x768xf32>
    %mul3A_551 = arith.mulf %get3A_520, %mul3A_550 : vector<32x768xf32>
    %eq3A_552 = arith.constant 1 : i32
    %eq3A_553 = vector.broadcast %eq3A_552 : i32 to vector<1x768xi32>
    %eq3A_554 = arith.cmpi eq, %select_n3A, %eq3A_553 : vector<1x768xi32>
    %convert_element_type3A_555 = arith.extui %eq3A_554 : vector<1x768xi1> to vector<1x768xi32>
    %convert_element_type3A_556 = arith.sitofp %convert_element_type3A_555 : vector<1x768xi32> to vector<1x768xf32>
    %mul3A_557 = vector.broadcast %convert_element_type3A_556 : vector<1x768xf32> to vector<32x768xf32>
    %mul3A_558 = arith.mulf %get3A_520, %mul3A_557 : vector<32x768xf32>
    %eq3A_559 = arith.constant 2 : i32
    %eq3A_560 = vector.broadcast %eq3A_559 : i32 to vector<1x768xi32>
    %eq3A_561 = arith.cmpi eq, %select_n3A, %eq3A_560 : vector<1x768xi32>
    %convert_element_type3A_562 = arith.extui %eq3A_561 : vector<1x768xi1> to vector<1x768xi32>
    %convert_element_type3A_563 = arith.sitofp %convert_element_type3A_562 : vector<1x768xi32> to vector<1x768xf32>
    %mul3A_564 = vector.broadcast %convert_element_type3A_563 : vector<1x768xf32> to vector<32x768xf32>
    %mul3A_565 = arith.mulf %get3A_520, %mul3A_564 : vector<32x768xf32>
    %eq3A_566 = arith.constant 3 : i32
    %eq3A_567 = vector.broadcast %eq3A_566 : i32 to vector<1x768xi32>
    %eq3A_568 = arith.cmpi eq, %select_n3A, %eq3A_567 : vector<1x768xi32>
    %convert_element_type3A_569 = arith.extui %eq3A_568 : vector<1x768xi1> to vector<1x768xi32>
    %convert_element_type3A_570 = arith.sitofp %convert_element_type3A_569 : vector<1x768xi32> to vector<1x768xf32>
    %mul3A_571 = vector.broadcast %convert_element_type3A_570 : vector<1x768xf32> to vector<32x768xf32>
    %mul3A_572 = arith.mulf %get3A_520, %mul3A_571 : vector<32x768xf32>
    %eq3A_573 = arith.constant 4 : i32
    %eq3A_574 = vector.broadcast %eq3A_573 : i32 to vector<1x768xi32>
    %eq3A_575 = arith.cmpi eq, %select_n3A, %eq3A_574 : vector<1x768xi32>
    %convert_element_type3A_576 = arith.extui %eq3A_575 : vector<1x768xi1> to vector<1x768xi32>
    %convert_element_type3A_577 = arith.sitofp %convert_element_type3A_576 : vector<1x768xi32> to vector<1x768xf32>
    %mul3A_578 = vector.broadcast %convert_element_type3A_577 : vector<1x768xf32> to vector<32x768xf32>
    %mul3A_579 = arith.mulf %get3A_520, %mul3A_578 : vector<32x768xf32>
    %eq3A_580 = arith.constant 5 : i32
    %eq3A_581 = vector.broadcast %eq3A_580 : i32 to vector<1x768xi32>
    %eq3A_582 = arith.cmpi eq, %select_n3A, %eq3A_581 : vector<1x768xi32>
    %convert_element_type3A_583 = arith.extui %eq3A_582 : vector<1x768xi1> to vector<1x768xi32>
    %convert_element_type3A_584 = arith.sitofp %convert_element_type3A_583 : vector<1x768xi32> to vector<1x768xf32>
    %mul3A_585 = vector.broadcast %convert_element_type3A_584 : vector<1x768xf32> to vector<32x768xf32>
    %mul3A_586 = arith.mulf %get3A_520, %mul3A_585 : vector<32x768xf32>
    %eq3A_587 = arith.constant 6 : i32
    %eq3A_588 = vector.broadcast %eq3A_587 : i32 to vector<1x768xi32>
    %eq3A_589 = arith.cmpi eq, %select_n3A, %eq3A_588 : vector<1x768xi32>
    %convert_element_type3A_590 = arith.extui %eq3A_589 : vector<1x768xi1> to vector<1x768xi32>
    %convert_element_type3A_591 = arith.sitofp %convert_element_type3A_590 : vector<1x768xi32> to vector<1x768xf32>
    %mul3A_592 = vector.broadcast %convert_element_type3A_591 : vector<1x768xf32> to vector<32x768xf32>
    %mul3A_593 = arith.mulf %get3A_520, %mul3A_592 : vector<32x768xf32>
    %eq3A_594 = arith.constant 7 : i32
    %eq3A_595 = vector.broadcast %eq3A_594 : i32 to vector<1x768xi32>
    %eq3A_596 = arith.cmpi eq, %select_n3A, %eq3A_595 : vector<1x768xi32>
    %convert_element_type3A_597 = arith.extui %eq3A_596 : vector<1x768xi1> to vector<1x768xi32>
    %convert_element_type3A_598 = arith.sitofp %convert_element_type3A_597 : vector<1x768xi32> to vector<1x768xf32>
    %mul3A_599 = vector.broadcast %convert_element_type3A_598 : vector<1x768xf32> to vector<32x768xf32>
    %mul3A_600 = arith.mulf %get3A_520, %mul3A_599 : vector<32x768xf32>
    %concatenate3A_601 = tpu.concatenate %mul3A_551, %mul3A_558, %mul3A_565, %mul3A_572, %mul3A_579, %mul3A_586, %mul3A_593, %mul3A_600 in 0 : vector<32x768xf32>, vector<32x768xf32>, vector<32x768xf32>, vector<32x768xf32>, vector<32x768xf32>, vector<32x768xf32>, vector<32x768xf32>, vector<32x768xf32> -> vector<256x768xf32>
    %convert_element_type3A_602 = arith.truncf %concatenate3A_601 : vector<256x768xf32> to vector<256x768xbf16>
    %iota3A_603 = tpu.iota {dimensions = array<i32: 0>} : vector<256x1xi32>
    %jit3A_604 = arith.constant 32 : i32
    %div3A_605 = vector.broadcast %jit3A_604 : i32 to vector<256x1xi32>
    %div3A_606 = arith.divsi %iota3A_603, %div3A_605 : vector<256x1xi32>
    %sign3A_607 = arith.constant 0 : i32
    %sign3A_608 = vector.broadcast %sign3A_607 : i32 to vector<256x1xi32>
    %sign3A_609 = arith.cmpi sgt, %iota3A_603, %sign3A_608 : vector<256x1xi32>
    %sign3A_610 = arith.extui %sign3A_609 : vector<256x1xi1> to vector<256x1xi32>
    %sign3A_611 = arith.constant 0 : i32
    %sign3A_612 = vector.broadcast %sign3A_611 : i32 to vector<256x1xi32>
    %sign3A_613 = arith.cmpi slt, %iota3A_603, %sign3A_612 : vector<256x1xi32>
    %sign3A_614 = arith.extui %sign3A_613 : vector<256x1xi1> to vector<256x1xi32>
    %sign3A_615 = arith.subi %sign3A_610, %sign3A_614 : vector<256x1xi32>
    %sign3A_616 = arith.constant 0 : i32
    %sign3A_617 = arith.cmpi sgt, %jit3A_604, %sign3A_616 : i32
    %sign3A_618 = arith.extui %sign3A_617 : i1 to i32
    %sign3A_619 = arith.constant 0 : i32
    %sign3A_620 = arith.cmpi slt, %jit3A_604, %sign3A_619 : i32
    %sign3A_621 = arith.extui %sign3A_620 : i1 to i32
    %sign3A_622 = arith.subi %sign3A_618, %sign3A_621 : i32
    %ne3A_623 = vector.broadcast %sign3A_622 : i32 to vector<256x1xi32>
    %ne3A_624 = arith.cmpi ne, %sign3A_615, %ne3A_623 : vector<256x1xi32>
    %rem3A_625 = vector.broadcast %jit3A_604 : i32 to vector<256x1xi32>
    %rem3A_626 = arith.remsi %iota3A_603, %rem3A_625 : vector<256x1xi32>
    %ne3A_627 = arith.constant 0 : i32
    %ne3A_628 = vector.broadcast %ne3A_627 : i32 to vector<256x1xi32>
    %ne3A_629 = arith.cmpi ne, %rem3A_626, %ne3A_628 : vector<256x1xi32>
    %and3A_630 = arith.andi %ne3A_624, %ne3A_629 : vector<256x1xi1>
    %sub3A_631 = arith.constant 1 : i32
    %sub3A_632 = vector.broadcast %sub3A_631 : i32 to vector<256x1xi32>
    %sub3A_633 = arith.subi %div3A_606, %sub3A_632 : vector<256x1xi32>
    %select_n3A_634 = arith.select %and3A_630, %sub3A_633, %div3A_606 : vector<256x1xi1>, vector<256x1xi32>
    %eq3A_635 = vector.broadcast %select_n3A_634 : vector<256x1xi32> to vector<256x768xi32>
    %eq3A_636 = vector.broadcast %select_n3A : vector<1x768xi32> to vector<256x768xi32>
    %eq3A_637 = arith.cmpi eq, %eq3A_635, %eq3A_636 : vector<256x768xi32>
    %convert_element_type3A_638 = arith.extui %eq3A_637 : vector<256x768xi1> to vector<256x768xi32>
    %convert_element_type3A_639 = arith.sitofp %convert_element_type3A_638 : vector<256x768xi32> to vector<256x768xf32>
    %slice3A_640 = vector.extract_strided_slice %add3A_506 {offsets = [0, 0], sizes = [64, 768], strides = [1, 1]} : vector<512x768xf32> to vector<64x768xf32>
    %convert_element_type3A_641 = arith.truncf %slice3A_640 : vector<64x768xf32> to vector<64x768xbf16>
    %slice3A_642 = vector.extract_strided_slice %add3A_517 {offsets = [0, 0], sizes = [64, 768], strides = [1, 1]} : vector<512x768xf32> to vector<64x768xf32>
    %convert_element_type3A_643 = arith.truncf %slice3A_642 : vector<64x768xf32> to vector<64x768xbf16>
    %dot_general3A_644 = arith.constant dense<0.000000e+00> : vector<64x256xf32>
    %dot_general3A_645 = tpu.matmul %convert_element_type3A_641, %convert_element_type3A_602, %dot_general3A_644 {dimension_numbers = #tpu.dot_dimension_numbers<[1], [1], [0], [0], [0, 0, 1, 0], [], []>, transpose_lhs_hint = false} : vector<64x768xbf16>, vector<256x768xbf16>, vector<64x256xf32> -> vector<64x256xf32>
    %mul3A_646 = arith.constant 0.102062076 : f32
    %mul3A_647 = vector.broadcast %mul3A_646 : f32 to vector<64x256xf32>
    %mul3A_648 = arith.mulf %dot_general3A_645, %mul3A_647 : vector<64x256xf32>
    %reduce_max3A_649 = arith.constant dense<0xFF800000> : vector<256xf32>
    %reduce_max3A_650 = vector.multi_reduction <maximumf>, %mul3A_648, %reduce_max3A_649 [0] : vector<64x256xf32> to vector<256xf32>
    %max3A_651 = arith.constant 0xFF800000 : f32
    %max3A_652 = vector.broadcast %max3A_651 : f32 to vector<256xf32>
    %max3A_653 = arith.maximumf %max3A_652, %reduce_max3A_650 : vector<256xf32>
    %broadcast_in_dim3A_654 = vector.shape_cast %max3A_653 : vector<256xf32> to vector<1x256xf32>
    %sub3A_655 = vector.broadcast %broadcast_in_dim3A_654 : vector<1x256xf32> to vector<64x256xf32>
    %sub3A_656 = arith.subf %mul3A_648, %sub3A_655 : vector<64x256xf32>
    %exp3A_657 = math.exp %sub3A_656 : vector<64x256xf32>
    %reduce_sum3A_658 = arith.constant dense<0.000000e+00> : vector<256xf32>
    %reduce_sum3A_659 = vector.multi_reduction <add>, %exp3A_657, %reduce_sum3A_658 [0] : vector<64x256xf32> to vector<256xf32>
    %broadcast_in_dim3A_660 = vector.shape_cast %reduce_sum3A_659 : vector<256xf32> to vector<1x256xf32>
    %div3A_661 = vector.broadcast %broadcast_in_dim3A_660 : vector<1x256xf32> to vector<64x256xf32>
    %div3A_662 = arith.divf %exp3A_657, %div3A_661 : vector<64x256xf32>
    %convert_element_type3A_663 = arith.truncf %div3A_662 : vector<64x256xf32> to vector<64x256xbf16>
    %dot_general3A_664 = arith.constant dense<0.000000e+00> : vector<256x768xf32>
    %dot_general3A_665 = tpu.matmul %convert_element_type3A_663, %convert_element_type3A_643, %dot_general3A_664 {dimension_numbers = #tpu.dot_dimension_numbers<[0], [0], [1], [1], [0, 1, 1, 1], [], []>, transpose_lhs_hint = false} : vector<64x256xbf16>, vector<64x768xbf16>, vector<256x768xf32> -> vector<256x768xf32>
    %mul3A_666 = arith.mulf %dot_general3A_665, %convert_element_type3A_639 : vector<256x768xf32>
    %reshape3A = vector.shape_cast %mul3A_666 : vector<256x768xf32> to vector<8x32x768xf32>
    %reduce_sum3A_667 = arith.constant dense<0.000000e+00> : vector<32x768xf32>
    %reduce_sum3A_668 = vector.multi_reduction <add>, %reshape3A, %reduce_sum3A_667 [0] : vector<8x32x768xf32> to vector<32x768xf32>
    %slice3A_669 = vector.extract_strided_slice %add3A_506 {offsets = [64, 0], sizes = [64, 768], strides = [1, 1]} : vector<512x768xf32> to vector<64x768xf32>
    %convert_element_type3A_670 = arith.truncf %slice3A_669 : vector<64x768xf32> to vector<64x768xbf16>
    %slice3A_671 = vector.extract_strided_slice %add3A_517 {offsets = [64, 0], sizes = [64, 768], strides = [1, 1]} : vector<512x768xf32> to vector<64x768xf32>
    %convert_element_type3A_672 = arith.truncf %slice3A_671 : vector<64x768xf32> to vector<64x768xbf16>
    %dot_general3A_673 = arith.constant dense<0.000000e+00> : vector<64x256xf32>
    %dot_general3A_674 = tpu.matmul %convert_element_type3A_670, %convert_element_type3A_602, %dot_general3A_673 {dimension_numbers = #tpu.dot_dimension_numbers<[1], [1], [0], [0], [0, 0, 1, 0], [], []>, transpose_lhs_hint = false} : vector<64x768xbf16>, vector<256x768xbf16>, vector<64x256xf32> -> vector<64x256xf32>
    %mul3A_675 = arith.constant 0.102062076 : f32
    %mul3A_676 = vector.broadcast %mul3A_675 : f32 to vector<64x256xf32>
    %mul3A_677 = arith.mulf %dot_general3A_674, %mul3A_676 : vector<64x256xf32>
    %reduce_max3A_678 = arith.constant dense<0xFF800000> : vector<256xf32>
    %reduce_max3A_679 = vector.multi_reduction <maximumf>, %mul3A_677, %reduce_max3A_678 [0] : vector<64x256xf32> to vector<256xf32>
    %max3A_680 = arith.constant 0xFF800000 : f32
    %max3A_681 = vector.broadcast %max3A_680 : f32 to vector<256xf32>
    %max3A_682 = arith.maximumf %max3A_681, %reduce_max3A_679 : vector<256xf32>
    %broadcast_in_dim3A_683 = vector.shape_cast %max3A_682 : vector<256xf32> to vector<1x256xf32>
    %sub3A_684 = vector.broadcast %broadcast_in_dim3A_683 : vector<1x256xf32> to vector<64x256xf32>
    %sub3A_685 = arith.subf %mul3A_677, %sub3A_684 : vector<64x256xf32>
    %exp3A_686 = math.exp %sub3A_685 : vector<64x256xf32>
    %reduce_sum3A_687 = arith.constant dense<0.000000e+00> : vector<256xf32>
    %reduce_sum3A_688 = vector.multi_reduction <add>, %exp3A_686, %reduce_sum3A_687 [0] : vector<64x256xf32> to vector<256xf32>
    %broadcast_in_dim3A_689 = vector.shape_cast %reduce_sum3A_688 : vector<256xf32> to vector<1x256xf32>
    %div3A_690 = vector.broadcast %broadcast_in_dim3A_689 : vector<1x256xf32> to vector<64x256xf32>
    %div3A_691 = arith.divf %exp3A_686, %div3A_690 : vector<64x256xf32>
    %convert_element_type3A_692 = arith.truncf %div3A_691 : vector<64x256xf32> to vector<64x256xbf16>
    %dot_general3A_693 = arith.constant dense<0.000000e+00> : vector<256x768xf32>
    %dot_general3A_694 = tpu.matmul %convert_element_type3A_692, %convert_element_type3A_672, %dot_general3A_693 {dimension_numbers = #tpu.dot_dimension_numbers<[0], [0], [1], [1], [0, 1, 1, 1], [], []>, transpose_lhs_hint = false} : vector<64x256xbf16>, vector<64x768xbf16>, vector<256x768xf32> -> vector<256x768xf32>
    %mul3A_695 = arith.mulf %dot_general3A_694, %convert_element_type3A_639 : vector<256x768xf32>
    %reshape3A_696 = vector.shape_cast %mul3A_695 : vector<256x768xf32> to vector<8x32x768xf32>
    %reduce_sum3A_697 = arith.constant dense<0.000000e+00> : vector<32x768xf32>
    %reduce_sum3A_698 = vector.multi_reduction <add>, %reshape3A_696, %reduce_sum3A_697 [0] : vector<8x32x768xf32> to vector<32x768xf32>
    %slice3A_699 = vector.extract_strided_slice %add3A_506 {offsets = [128, 0], sizes = [64, 768], strides = [1, 1]} : vector<512x768xf32> to vector<64x768xf32>
    %convert_element_type3A_700 = arith.truncf %slice3A_699 : vector<64x768xf32> to vector<64x768xbf16>
    %slice3A_701 = vector.extract_strided_slice %add3A_517 {offsets = [128, 0], sizes = [64, 768], strides = [1, 1]} : vector<512x768xf32> to vector<64x768xf32>
    %convert_element_type3A_702 = arith.truncf %slice3A_701 : vector<64x768xf32> to vector<64x768xbf16>
    %dot_general3A_703 = arith.constant dense<0.000000e+00> : vector<64x256xf32>
    %dot_general3A_704 = tpu.matmul %convert_element_type3A_700, %convert_element_type3A_602, %dot_general3A_703 {dimension_numbers = #tpu.dot_dimension_numbers<[1], [1], [0], [0], [0, 0, 1, 0], [], []>, transpose_lhs_hint = false} : vector<64x768xbf16>, vector<256x768xbf16>, vector<64x256xf32> -> vector<64x256xf32>
    %mul3A_705 = arith.constant 0.102062076 : f32
    %mul3A_706 = vector.broadcast %mul3A_705 : f32 to vector<64x256xf32>
    %mul3A_707 = arith.mulf %dot_general3A_704, %mul3A_706 : vector<64x256xf32>
    %reduce_max3A_708 = arith.constant dense<0xFF800000> : vector<256xf32>
    %reduce_max3A_709 = vector.multi_reduction <maximumf>, %mul3A_707, %reduce_max3A_708 [0] : vector<64x256xf32> to vector<256xf32>
    %max3A_710 = arith.constant 0xFF800000 : f32
    %max3A_711 = vector.broadcast %max3A_710 : f32 to vector<256xf32>
    %max3A_712 = arith.maximumf %max3A_711, %reduce_max3A_709 : vector<256xf32>
    %broadcast_in_dim3A_713 = vector.shape_cast %max3A_712 : vector<256xf32> to vector<1x256xf32>
    %sub3A_714 = vector.broadcast %broadcast_in_dim3A_713 : vector<1x256xf32> to vector<64x256xf32>
    %sub3A_715 = arith.subf %mul3A_707, %sub3A_714 : vector<64x256xf32>
    %exp3A_716 = math.exp %sub3A_715 : vector<64x256xf32>
    %reduce_sum3A_717 = arith.constant dense<0.000000e+00> : vector<256xf32>
    %reduce_sum3A_718 = vector.multi_reduction <add>, %exp3A_716, %reduce_sum3A_717 [0] : vector<64x256xf32> to vector<256xf32>
    %broadcast_in_dim3A_719 = vector.shape_cast %reduce_sum3A_718 : vector<256xf32> to vector<1x256xf32>
    %div3A_720 = vector.broadcast %broadcast_in_dim3A_719 : vector<1x256xf32> to vector<64x256xf32>
    %div3A_721 = arith.divf %exp3A_716, %div3A_720 : vector<64x256xf32>
    %convert_element_type3A_722 = arith.truncf %div3A_721 : vector<64x256xf32> to vector<64x256xbf16>
    %dot_general3A_723 = arith.constant dense<0.000000e+00> : vector<256x768xf32>
    %dot_general3A_724 = tpu.matmul %convert_element_type3A_722, %convert_element_type3A_702, %dot_general3A_723 {dimension_numbers = #tpu.dot_dimension_numbers<[0], [0], [1], [1], [0, 1, 1, 1], [], []>, transpose_lhs_hint = false} : vector<64x256xbf16>, vector<64x768xbf16>, vector<256x768xf32> -> vector<256x768xf32>
    %mul3A_725 = arith.mulf %dot_general3A_724, %convert_element_type3A_639 : vector<256x768xf32>
    %reshape3A_726 = vector.shape_cast %mul3A_725 : vector<256x768xf32> to vector<8x32x768xf32>
    %reduce_sum3A_727 = arith.constant dense<0.000000e+00> : vector<32x768xf32>
    %reduce_sum3A_728 = vector.multi_reduction <add>, %reshape3A_726, %reduce_sum3A_727 [0] : vector<8x32x768xf32> to vector<32x768xf32>
    %slice3A_729 = vector.extract_strided_slice %add3A_506 {offsets = [192, 0], sizes = [64, 768], strides = [1, 1]} : vector<512x768xf32> to vector<64x768xf32>
    %convert_element_type3A_730 = arith.truncf %slice3A_729 : vector<64x768xf32> to vector<64x768xbf16>
    %slice3A_731 = vector.extract_strided_slice %add3A_517 {offsets = [192, 0], sizes = [64, 768], strides = [1, 1]} : vector<512x768xf32> to vector<64x768xf32>
    %convert_element_type3A_732 = arith.truncf %slice3A_731 : vector<64x768xf32> to vector<64x768xbf16>
    %dot_general3A_733 = arith.constant dense<0.000000e+00> : vector<64x256xf32>
    %dot_general3A_734 = tpu.matmul %convert_element_type3A_730, %convert_element_type3A_602, %dot_general3A_733 {dimension_numbers = #tpu.dot_dimension_numbers<[1], [1], [0], [0], [0, 0, 1, 0], [], []>, transpose_lhs_hint = false} : vector<64x768xbf16>, vector<256x768xbf16>, vector<64x256xf32> -> vector<64x256xf32>
    %mul3A_735 = arith.constant 0.102062076 : f32
    %mul3A_736 = vector.broadcast %mul3A_735 : f32 to vector<64x256xf32>
    %mul3A_737 = arith.mulf %dot_general3A_734, %mul3A_736 : vector<64x256xf32>
    %reduce_max3A_738 = arith.constant dense<0xFF800000> : vector<256xf32>
    %reduce_max3A_739 = vector.multi_reduction <maximumf>, %mul3A_737, %reduce_max3A_738 [0] : vector<64x256xf32> to vector<256xf32>
    %max3A_740 = arith.constant 0xFF800000 : f32
    %max3A_741 = vector.broadcast %max3A_740 : f32 to vector<256xf32>
    %max3A_742 = arith.maximumf %max3A_741, %reduce_max3A_739 : vector<256xf32>
    %broadcast_in_dim3A_743 = vector.shape_cast %max3A_742 : vector<256xf32> to vector<1x256xf32>
    %sub3A_744 = vector.broadcast %broadcast_in_dim3A_743 : vector<1x256xf32> to vector<64x256xf32>
    %sub3A_745 = arith.subf %mul3A_737, %sub3A_744 : vector<64x256xf32>
    %exp3A_746 = math.exp %sub3A_745 : vector<64x256xf32>
    %reduce_sum3A_747 = arith.constant dense<0.000000e+00> : vector<256xf32>
    %reduce_sum3A_748 = vector.multi_reduction <add>, %exp3A_746, %reduce_sum3A_747 [0] : vector<64x256xf32> to vector<256xf32>
    %broadcast_in_dim3A_749 = vector.shape_cast %reduce_sum3A_748 : vector<256xf32> to vector<1x256xf32>
    %div3A_750 = vector.broadcast %broadcast_in_dim3A_749 : vector<1x256xf32> to vector<64x256xf32>
    %div3A_751 = arith.divf %exp3A_746, %div3A_750 : vector<64x256xf32>
    %convert_element_type3A_752 = arith.truncf %div3A_751 : vector<64x256xf32> to vector<64x256xbf16>
    %dot_general3A_753 = arith.constant dense<0.000000e+00> : vector<256x768xf32>
    %dot_general3A_754 = tpu.matmul %convert_element_type3A_752, %convert_element_type3A_732, %dot_general3A_753 {dimension_numbers = #tpu.dot_dimension_numbers<[0], [0], [1], [1], [0, 1, 1, 1], [], []>, transpose_lhs_hint = false} : vector<64x256xbf16>, vector<64x768xbf16>, vector<256x768xf32> -> vector<256x768xf32>
    %mul3A_755 = arith.mulf %dot_general3A_754, %convert_element_type3A_639 : vector<256x768xf32>
    %reshape3A_756 = vector.shape_cast %mul3A_755 : vector<256x768xf32> to vector<8x32x768xf32>
    %reduce_sum3A_757 = arith.constant dense<0.000000e+00> : vector<32x768xf32>
    %reduce_sum3A_758 = vector.multi_reduction <add>, %reshape3A_756, %reduce_sum3A_757 [0] : vector<8x32x768xf32> to vector<32x768xf32>
    %slice3A_759 = vector.extract_strided_slice %add3A_506 {offsets = [256, 0], sizes = [64, 768], strides = [1, 1]} : vector<512x768xf32> to vector<64x768xf32>
    %convert_element_type3A_760 = arith.truncf %slice3A_759 : vector<64x768xf32> to vector<64x768xbf16>
    %slice3A_761 = vector.extract_strided_slice %add3A_517 {offsets = [256, 0], sizes = [64, 768], strides = [1, 1]} : vector<512x768xf32> to vector<64x768xf32>
    %convert_element_type3A_762 = arith.truncf %slice3A_761 : vector<64x768xf32> to vector<64x768xbf16>
    %dot_general3A_763 = arith.constant dense<0.000000e+00> : vector<64x256xf32>
    %dot_general3A_764 = tpu.matmul %convert_element_type3A_760, %convert_element_type3A_602, %dot_general3A_763 {dimension_numbers = #tpu.dot_dimension_numbers<[1], [1], [0], [0], [0, 0, 1, 0], [], []>, transpose_lhs_hint = false} : vector<64x768xbf16>, vector<256x768xbf16>, vector<64x256xf32> -> vector<64x256xf32>
    %mul3A_765 = arith.constant 0.102062076 : f32
    %mul3A_766 = vector.broadcast %mul3A_765 : f32 to vector<64x256xf32>
    %mul3A_767 = arith.mulf %dot_general3A_764, %mul3A_766 : vector<64x256xf32>
    %reduce_max3A_768 = arith.constant dense<0xFF800000> : vector<256xf32>
    %reduce_max3A_769 = vector.multi_reduction <maximumf>, %mul3A_767, %reduce_max3A_768 [0] : vector<64x256xf32> to vector<256xf32>
    %max3A_770 = arith.constant 0xFF800000 : f32
    %max3A_771 = vector.broadcast %max3A_770 : f32 to vector<256xf32>
    %max3A_772 = arith.maximumf %max3A_771, %reduce_max3A_769 : vector<256xf32>
    %broadcast_in_dim3A_773 = vector.shape_cast %max3A_772 : vector<256xf32> to vector<1x256xf32>
    %sub3A_774 = vector.broadcast %broadcast_in_dim3A_773 : vector<1x256xf32> to vector<64x256xf32>
    %sub3A_775 = arith.subf %mul3A_767, %sub3A_774 : vector<64x256xf32>
    %exp3A_776 = math.exp %sub3A_775 : vector<64x256xf32>
    %reduce_sum3A_777 = arith.constant dense<0.000000e+00> : vector<256xf32>
    %reduce_sum3A_778 = vector.multi_reduction <add>, %exp3A_776, %reduce_sum3A_777 [0] : vector<64x256xf32> to vector<256xf32>
    %broadcast_in_dim3A_779 = vector.shape_cast %reduce_sum3A_778 : vector<256xf32> to vector<1x256xf32>
    %div3A_780 = vector.broadcast %broadcast_in_dim3A_779 : vector<1x256xf32> to vector<64x256xf32>
    %div3A_781 = arith.divf %exp3A_776, %div3A_780 : vector<64x256xf32>
    %convert_element_type3A_782 = arith.truncf %div3A_781 : vector<64x256xf32> to vector<64x256xbf16>
    %dot_general3A_783 = arith.constant dense<0.000000e+00> : vector<256x768xf32>
    %dot_general3A_784 = tpu.matmul %convert_element_type3A_782, %convert_element_type3A_762, %dot_general3A_783 {dimension_numbers = #tpu.dot_dimension_numbers<[0], [0], [1], [1], [0, 1, 1, 1], [], []>, transpose_lhs_hint = false} : vector<64x256xbf16>, vector<64x768xbf16>, vector<256x768xf32> -> vector<256x768xf32>
    %mul3A_785 = arith.mulf %dot_general3A_784, %convert_element_type3A_639 : vector<256x768xf32>
    %reshape3A_786 = vector.shape_cast %mul3A_785 : vector<256x768xf32> to vector<8x32x768xf32>
    %reduce_sum3A_787 = arith.constant dense<0.000000e+00> : vector<32x768xf32>
    %reduce_sum3A_788 = vector.multi_reduction <add>, %reshape3A_786, %reduce_sum3A_787 [0] : vector<8x32x768xf32> to vector<32x768xf32>
    %slice3A_789 = vector.extract_strided_slice %add3A_506 {offsets = [320, 0], sizes = [64, 768], strides = [1, 1]} : vector<512x768xf32> to vector<64x768xf32>
    %convert_element_type3A_790 = arith.truncf %slice3A_789 : vector<64x768xf32> to vector<64x768xbf16>
    %slice3A_791 = vector.extract_strided_slice %add3A_517 {offsets = [320, 0], sizes = [64, 768], strides = [1, 1]} : vector<512x768xf32> to vector<64x768xf32>
    %convert_element_type3A_792 = arith.truncf %slice3A_791 : vector<64x768xf32> to vector<64x768xbf16>
    %dot_general3A_793 = arith.constant dense<0.000000e+00> : vector<64x256xf32>
    %dot_general3A_794 = tpu.matmul %convert_element_type3A_790, %convert_element_type3A_602, %dot_general3A_793 {dimension_numbers = #tpu.dot_dimension_numbers<[1], [1], [0], [0], [0, 0, 1, 0], [], []>, transpose_lhs_hint = false} : vector<64x768xbf16>, vector<256x768xbf16>, vector<64x256xf32> -> vector<64x256xf32>
    %mul3A_795 = arith.constant 0.102062076 : f32
    %mul3A_796 = vector.broadcast %mul3A_795 : f32 to vector<64x256xf32>
    %mul3A_797 = arith.mulf %dot_general3A_794, %mul3A_796 : vector<64x256xf32>
    %reduce_max3A_798 = arith.constant dense<0xFF800000> : vector<256xf32>
    %reduce_max3A_799 = vector.multi_reduction <maximumf>, %mul3A_797, %reduce_max3A_798 [0] : vector<64x256xf32> to vector<256xf32>
    %max3A_800 = arith.constant 0xFF800000 : f32
    %max3A_801 = vector.broadcast %max3A_800 : f32 to vector<256xf32>
    %max3A_802 = arith.maximumf %max3A_801, %reduce_max3A_799 : vector<256xf32>
    %broadcast_in_dim3A_803 = vector.shape_cast %max3A_802 : vector<256xf32> to vector<1x256xf32>
    %sub3A_804 = vector.broadcast %broadcast_in_dim3A_803 : vector<1x256xf32> to vector<64x256xf32>
    %sub3A_805 = arith.subf %mul3A_797, %sub3A_804 : vector<64x256xf32>
    %exp3A_806 = math.exp %sub3A_805 : vector<64x256xf32>
    %reduce_sum3A_807 = arith.constant dense<0.000000e+00> : vector<256xf32>
    %reduce_sum3A_808 = vector.multi_reduction <add>, %exp3A_806, %reduce_sum3A_807 [0] : vector<64x256xf32> to vector<256xf32>
    %broadcast_in_dim3A_809 = vector.shape_cast %reduce_sum3A_808 : vector<256xf32> to vector<1x256xf32>
    %div3A_810 = vector.broadcast %broadcast_in_dim3A_809 : vector<1x256xf32> to vector<64x256xf32>
    %div3A_811 = arith.divf %exp3A_806, %div3A_810 : vector<64x256xf32>
    %convert_element_type3A_812 = arith.truncf %div3A_811 : vector<64x256xf32> to vector<64x256xbf16>
    %dot_general3A_813 = arith.constant dense<0.000000e+00> : vector<256x768xf32>
    %dot_general3A_814 = tpu.matmul %convert_element_type3A_812, %convert_element_type3A_792, %dot_general3A_813 {dimension_numbers = #tpu.dot_dimension_numbers<[0], [0], [1], [1], [0, 1, 1, 1], [], []>, transpose_lhs_hint = false} : vector<64x256xbf16>, vector<64x768xbf16>, vector<256x768xf32> -> vector<256x768xf32>
    %mul3A_815 = arith.mulf %dot_general3A_814, %convert_element_type3A_639 : vector<256x768xf32>
    %reshape3A_816 = vector.shape_cast %mul3A_815 : vector<256x768xf32> to vector<8x32x768xf32>
    %reduce_sum3A_817 = arith.constant dense<0.000000e+00> : vector<32x768xf32>
    %reduce_sum3A_818 = vector.multi_reduction <add>, %reshape3A_816, %reduce_sum3A_817 [0] : vector<8x32x768xf32> to vector<32x768xf32>
    %slice3A_819 = vector.extract_strided_slice %add3A_506 {offsets = [384, 0], sizes = [64, 768], strides = [1, 1]} : vector<512x768xf32> to vector<64x768xf32>
    %convert_element_type3A_820 = arith.truncf %slice3A_819 : vector<64x768xf32> to vector<64x768xbf16>
    %slice3A_821 = vector.extract_strided_slice %add3A_517 {offsets = [384, 0], sizes = [64, 768], strides = [1, 1]} : vector<512x768xf32> to vector<64x768xf32>
    %convert_element_type3A_822 = arith.truncf %slice3A_821 : vector<64x768xf32> to vector<64x768xbf16>
    %dot_general3A_823 = arith.constant dense<0.000000e+00> : vector<64x256xf32>
    %dot_general3A_824 = tpu.matmul %convert_element_type3A_820, %convert_element_type3A_602, %dot_general3A_823 {dimension_numbers = #tpu.dot_dimension_numbers<[1], [1], [0], [0], [0, 0, 1, 0], [], []>, transpose_lhs_hint = false} : vector<64x768xbf16>, vector<256x768xbf16>, vector<64x256xf32> -> vector<64x256xf32>
    %mul3A_825 = arith.constant 0.102062076 : f32
    %mul3A_826 = vector.broadcast %mul3A_825 : f32 to vector<64x256xf32>
    %mul3A_827 = arith.mulf %dot_general3A_824, %mul3A_826 : vector<64x256xf32>
    %reduce_max3A_828 = arith.constant dense<0xFF800000> : vector<256xf32>
    %reduce_max3A_829 = vector.multi_reduction <maximumf>, %mul3A_827, %reduce_max3A_828 [0] : vector<64x256xf32> to vector<256xf32>
    %max3A_830 = arith.constant 0xFF800000 : f32
    %max3A_831 = vector.broadcast %max3A_830 : f32 to vector<256xf32>
    %max3A_832 = arith.maximumf %max3A_831, %reduce_max3A_829 : vector<256xf32>
    %broadcast_in_dim3A_833 = vector.shape_cast %max3A_832 : vector<256xf32> to vector<1x256xf32>
    %sub3A_834 = vector.broadcast %broadcast_in_dim3A_833 : vector<1x256xf32> to vector<64x256xf32>
    %sub3A_835 = arith.subf %mul3A_827, %sub3A_834 : vector<64x256xf32>
    %exp3A_836 = math.exp %sub3A_835 : vector<64x256xf32>
    %reduce_sum3A_837 = arith.constant dense<0.000000e+00> : vector<256xf32>
    %reduce_sum3A_838 = vector.multi_reduction <add>, %exp3A_836, %reduce_sum3A_837 [0] : vector<64x256xf32> to vector<256xf32>
    %broadcast_in_dim3A_839 = vector.shape_cast %reduce_sum3A_838 : vector<256xf32> to vector<1x256xf32>
    %div3A_840 = vector.broadcast %broadcast_in_dim3A_839 : vector<1x256xf32> to vector<64x256xf32>
    %div3A_841 = arith.divf %exp3A_836, %div3A_840 : vector<64x256xf32>
    %convert_element_type3A_842 = arith.truncf %div3A_841 : vector<64x256xf32> to vector<64x256xbf16>
    %dot_general3A_843 = arith.constant dense<0.000000e+00> : vector<256x768xf32>
    %dot_general3A_844 = tpu.matmul %convert_element_type3A_842, %convert_element_type3A_822, %dot_general3A_843 {dimension_numbers = #tpu.dot_dimension_numbers<[0], [0], [1], [1], [0, 1, 1, 1], [], []>, transpose_lhs_hint = false} : vector<64x256xbf16>, vector<64x768xbf16>, vector<256x768xf32> -> vector<256x768xf32>
    %mul3A_845 = arith.mulf %dot_general3A_844, %convert_element_type3A_639 : vector<256x768xf32>
    %reshape3A_846 = vector.shape_cast %mul3A_845 : vector<256x768xf32> to vector<8x32x768xf32>
    %reduce_sum3A_847 = arith.constant dense<0.000000e+00> : vector<32x768xf32>
    %reduce_sum3A_848 = vector.multi_reduction <add>, %reshape3A_846, %reduce_sum3A_847 [0] : vector<8x32x768xf32> to vector<32x768xf32>
    %slice3A_849 = vector.extract_strided_slice %add3A_506 {offsets = [448, 0], sizes = [64, 768], strides = [1, 1]} : vector<512x768xf32> to vector<64x768xf32>
    %convert_element_type3A_850 = arith.truncf %slice3A_849 : vector<64x768xf32> to vector<64x768xbf16>
    %slice3A_851 = vector.extract_strided_slice %add3A_517 {offsets = [448, 0], sizes = [64, 768], strides = [1, 1]} : vector<512x768xf32> to vector<64x768xf32>
    %convert_element_type3A_852 = arith.truncf %slice3A_851 : vector<64x768xf32> to vector<64x768xbf16>
    %dot_general3A_853 = arith.constant dense<0.000000e+00> : vector<64x256xf32>
    %dot_general3A_854 = tpu.matmul %convert_element_type3A_850, %convert_element_type3A_602, %dot_general3A_853 {dimension_numbers = #tpu.dot_dimension_numbers<[1], [1], [0], [0], [0, 0, 1, 0], [], []>, transpose_lhs_hint = false} : vector<64x768xbf16>, vector<256x768xbf16>, vector<64x256xf32> -> vector<64x256xf32>
    %mul3A_855 = arith.constant 0.102062076 : f32
    %mul3A_856 = vector.broadcast %mul3A_855 : f32 to vector<64x256xf32>
    %mul3A_857 = arith.mulf %dot_general3A_854, %mul3A_856 : vector<64x256xf32>
    %reduce_max3A_858 = arith.constant dense<0xFF800000> : vector<256xf32>
    %reduce_max3A_859 = vector.multi_reduction <maximumf>, %mul3A_857, %reduce_max3A_858 [0] : vector<64x256xf32> to vector<256xf32>
    %max3A_860 = arith.constant 0xFF800000 : f32
    %max3A_861 = vector.broadcast %max3A_860 : f32 to vector<256xf32>
    %max3A_862 = arith.maximumf %max3A_861, %reduce_max3A_859 : vector<256xf32>
    %broadcast_in_dim3A_863 = vector.shape_cast %max3A_862 : vector<256xf32> to vector<1x256xf32>
    %sub3A_864 = vector.broadcast %broadcast_in_dim3A_863 : vector<1x256xf32> to vector<64x256xf32>
    %sub3A_865 = arith.subf %mul3A_857, %sub3A_864 : vector<64x256xf32>
    %exp3A_866 = math.exp %sub3A_865 : vector<64x256xf32>
    %reduce_sum3A_867 = arith.constant dense<0.000000e+00> : vector<256xf32>
    %reduce_sum3A_868 = vector.multi_reduction <add>, %exp3A_866, %reduce_sum3A_867 [0] : vector<64x256xf32> to vector<256xf32>
    %broadcast_in_dim3A_869 = vector.shape_cast %reduce_sum3A_868 : vector<256xf32> to vector<1x256xf32>
    %div3A_870 = vector.broadcast %broadcast_in_dim3A_869 : vector<1x256xf32> to vector<64x256xf32>
    %div3A_871 = arith.divf %exp3A_866, %div3A_870 : vector<64x256xf32>
    %convert_element_type3A_872 = arith.truncf %div3A_871 : vector<64x256xf32> to vector<64x256xbf16>
    %dot_general3A_873 = arith.constant dense<0.000000e+00> : vector<256x768xf32>
    %dot_general3A_874 = tpu.matmul %convert_element_type3A_872, %convert_element_type3A_852, %dot_general3A_873 {dimension_numbers = #tpu.dot_dimension_numbers<[0], [0], [1], [1], [0, 1, 1, 1], [], []>, transpose_lhs_hint = false} : vector<64x256xbf16>, vector<64x768xbf16>, vector<256x768xf32> -> vector<256x768xf32>
    %mul3A_875 = arith.mulf %dot_general3A_874, %convert_element_type3A_639 : vector<256x768xf32>
    %reshape3A_876 = vector.shape_cast %mul3A_875 : vector<256x768xf32> to vector<8x32x768xf32>
    %reduce_sum3A_877 = arith.constant dense<0.000000e+00> : vector<32x768xf32>
    %reduce_sum3A_878 = vector.multi_reduction <add>, %reshape3A_876, %reduce_sum3A_877 [0] : vector<8x32x768xf32> to vector<32x768xf32>
    %concatenate3A_879 = tpu.concatenate %reduce_sum3A_668, %reduce_sum3A_698, %reduce_sum3A_728, %reduce_sum3A_758, %reduce_sum3A_788, %reduce_sum3A_818, %reduce_sum3A_848, %reduce_sum3A_878 in 0 : vector<32x768xf32>, vector<32x768xf32>, vector<32x768xf32>, vector<32x768xf32>, vector<32x768xf32>, vector<32x768xf32>, vector<32x768xf32>, vector<32x768xf32> -> vector<256x768xf32>
    %convert_element_type3A_880 = arith.truncf %concatenate3A_879 : vector<256x768xf32> to vector<256x768xbf16>
    %get3A_881 = arith.constant 0 : index
    %get3A_882 = arith.constant 0 : index
    %get3A_883 = vector.load %arg16[%get3A_881, %get3A_882] : memref<768x768xf32, #tpu.memory_space<vmem>>, vector<768x768xf32>
    %convert_element_type3A_884 = arith.truncf %get3A_883 : vector<768x768xf32> to vector<768x768xbf16>
    %dot_general3A_885 = arith.constant dense<0.000000e+00> : vector<256x768xf32>
    %dot_general3A_886 = tpu.matmul %convert_element_type3A_880, %convert_element_type3A_884, %dot_general3A_885 {dimension_numbers = #tpu.dot_dimension_numbers<[1], [0], [0], [1], [0, 0, 1, 1], [], []>, transpose_lhs_hint = false} : vector<256x768xbf16>, vector<768x768xbf16>, vector<256x768xf32> -> vector<256x768xf32>
    %get3A_887 = arith.constant 0 : index
    %get3A_888 = arith.constant 0 : index
    %get3A_889 = vector.load %arg17[%get3A_887, %get3A_888] : memref<1x768xf32, #tpu.memory_space<vmem>>, vector<1x768xf32>
    %add3A_890 = vector.broadcast %get3A_889 : vector<1x768xf32> to vector<256x768xf32>
    %add3A_891 = arith.addf %dot_general3A_886, %add3A_890 : vector<256x768xf32>
    %get3A_892 = arith.constant 0 : index
    %get3A_893 = arith.constant 0 : index
    %get3A_894 = vector.load %arg18[%get3A_892, %get3A_893] : memref<1x768xf32, #tpu.memory_space<vmem>>, vector<1x768xf32>
    %get3A_895 = arith.constant 0 : index
    %get3A_896 = arith.constant 0 : index
    %get3A_897 = vector.load %arg19[%get3A_895, %get3A_896] : memref<1x768xf32, #tpu.memory_space<vmem>>, vector<1x768xf32>
    %reduce_sum3A_898 = arith.constant dense<0.000000e+00> : vector<256xf32>
    %reduce_sum3A_899 = vector.multi_reduction <add>, %add3A_891, %reduce_sum3A_898 [1] : vector<256x768xf32> to vector<256xf32>
    %broadcast_in_dim3A_900 = vector.shape_cast %reduce_sum3A_899 : vector<256xf32> to vector<256x1xf32>
    %div3A_901 = arith.constant 7.680000e+02 : f32
    %div3A_902 = vector.broadcast %div3A_901 : f32 to vector<256x1xf32>
    %div3A_903 = arith.divf %broadcast_in_dim3A_900, %div3A_902 : vector<256x1xf32>
    %sub3A_904 = vector.broadcast %div3A_903 : vector<256x1xf32> to vector<256x768xf32>
    %sub3A_905 = arith.subf %add3A_891, %sub3A_904 : vector<256x768xf32>
    %integer_pow3A_906 = arith.mulf %sub3A_905, %sub3A_905 : vector<256x768xf32>
    %reduce_sum3A_907 = arith.constant dense<0.000000e+00> : vector<256xf32>
    %reduce_sum3A_908 = vector.multi_reduction <add>, %integer_pow3A_906, %reduce_sum3A_907 [1] : vector<256x768xf32> to vector<256xf32>
    %broadcast_in_dim3A_909 = vector.shape_cast %reduce_sum3A_908 : vector<256xf32> to vector<256x1xf32>
    %div3A_910 = arith.constant 7.680000e+02 : f32
    %div3A_911 = vector.broadcast %div3A_910 : f32 to vector<256x1xf32>
    %div3A_912 = arith.divf %broadcast_in_dim3A_909, %div3A_911 : vector<256x1xf32>
    %sub3A_913 = vector.broadcast %div3A_903 : vector<256x1xf32> to vector<256x768xf32>
    %sub3A_914 = arith.subf %add3A_891, %sub3A_913 : vector<256x768xf32>
    %add3A_915 = arith.constant 9.99999974E-6 : f32
    %add3A_916 = vector.broadcast %add3A_915 : f32 to vector<256x1xf32>
    %add3A_917 = arith.addf %div3A_912, %add3A_916 : vector<256x1xf32>
    %sqrt3A_918 = math.sqrt %add3A_917 : vector<256x1xf32>
    %div3A_919 = vector.broadcast %sqrt3A_918 : vector<256x1xf32> to vector<256x768xf32>
    %div3A_920 = arith.divf %sub3A_914, %div3A_919 : vector<256x768xf32>
    %mul3A_921 = vector.broadcast %get3A_894 : vector<1x768xf32> to vector<256x768xf32>
    %mul3A_922 = arith.mulf %div3A_920, %mul3A_921 : vector<256x768xf32>
    %add3A_923 = vector.broadcast %get3A_897 : vector<1x768xf32> to vector<256x768xf32>
    %add3A_924 = arith.addf %mul3A_922, %add3A_923 : vector<256x768xf32>
    %get3A_925 = arith.constant 0 : index
    %get3A_926 = arith.constant 0 : index
    %get3A_927 = vector.load %arg20[%get3A_925, %get3A_926] : memref<1x768xf32, #tpu.memory_space<vmem>>, vector<1x768xf32>
    %convert_element_type3A_928 = arith.truncf %get3A_927 : vector<1x768xf32> to vector<1x768xbf16>
    %convert_element_type3A_929 = arith.extf %convert_element_type3A_928 : vector<1x768xbf16> to vector<1x768xf32>
    %convert_element_type3A_930 = arith.truncf %add3A_924 : vector<256x768xf32> to vector<256x768xbf16>
    %convert_element_type3A_931 = arith.extf %convert_element_type3A_930 : vector<256x768xbf16> to vector<256x768xf32>
    %mul3A_932 = vector.broadcast %convert_element_type3A_929 : vector<1x768xf32> to vector<256x768xf32>
    %mul3A_933 = arith.mulf %convert_element_type3A_931, %mul3A_932 : vector<256x768xf32>
    %reduce_sum3A_934 = arith.constant dense<0.000000e+00> : vector<256xf32>
    %reduce_sum3A_935 = vector.multi_reduction <add>, %mul3A_933, %reduce_sum3A_934 [1] : vector<256x768xf32> to vector<256xf32>
    %get3A_936 = arith.constant 0 : index
    %get3A_937 = arith.constant 0 : index
    %get3A_938 = vector.load %arg21[%get3A_936, %get3A_937] : memref<1x1xf32, #tpu.memory_space<vmem>>, vector<1x1xf32>
    %get3A_939 = vector.extract %get3A_938[0, 0] : f32 from vector<1x1xf32>
    %add3A_940 = vector.broadcast %get3A_939 : f32 to vector<256xf32>
    %add3A_941 = arith.addf %reduce_sum3A_935, %add3A_940 : vector<256xf32>
    %reshape3A_942 = vector.shape_cast %add3A_941 : vector<256xf32> to vector<8x1x32xf32>
    %swap3A = arith.constant 0 : index
    %swap3A_943 = arith.constant 0 : index
    %swap3A_944 = arith.constant 0 : index
    %swap3A_945 = vector.load %arg22[%swap3A, %swap3A_943, %swap3A_944] : memref<8x1x32xf32, #tpu.memory_space<vmem>>, vector<8x1x32xf32>
    tpu.vector_store %arg22[%swap3A, %swap3A_943, %swap3A_944], %reshape3A_942 {strides = array<i32>} : memref<8x1x32xf32, #tpu.memory_space<vmem>>, vector<8x1x32xf32>,
    return
  }
  func.func @transform_0(%arg0: i32) -> (i32, i32, i32) {
    %c0_i32 = arith.constant 0 : i32
    %c0_i32_0 = arith.constant 0 : i32
    %c0_i32_1 = arith.constant 0 : i32
    return %arg0, %c0_i32, %c0_i32_0 : i32, i32, i32
  }
  func.func @transform_1(%arg0: i32) -> (i32, i32, i32) {
    %c0_i32 = arith.constant 0 : i32
    %c0_i32_0 = arith.constant 0 : i32
    %c0_i32_1 = arith.constant 0 : i32
    return %arg0, %c0_i32, %c0_i32_0 : i32, i32, i32
  }
  func.func @transform_2(%arg0: i32) -> (i32, i32) {
    %c0_i32 = arith.constant 0 : i32
    %c0_i32_0 = arith.constant 0 : i32
    %c0_i32_1 = arith.constant 0 : i32
    return %c0_i32, %c0_i32_0 : i32, i32
  }
  func.func @transform_3(%arg0: i32) -> (i32, i32) {
    %c0_i32 = arith.constant 0 : i32
    %c0_i32_0 = arith.constant 0 : i32
    %c0_i32_1 = arith.constant 0 : i32
    return %c0_i32, %c0_i32_0 : i32, i32
  }
  func.func @transform_4(%arg0: i32) -> (i32, i32) {
    %c0_i32 = arith.constant 0 : i32
    %c0_i32_0 = arith.constant 0 : i32
    %c0_i32_1 = arith.constant 0 : i32
    return %c0_i32, %c0_i32_0 : i32, i32
  }
  func.func @transform_5(%arg0: i32) -> (i32, i32) {
    %c0_i32 = arith.constant 0 : i32
    %c0_i32_0 = arith.constant 0 : i32
    %c0_i32_1 = arith.constant 0 : i32
    return %c0_i32, %c0_i32_0 : i32, i32
  }
  func.func @transform_6(%arg0: i32) -> (i32, i32) {
    %c0_i32 = arith.constant 0 : i32
    %c0_i32_0 = arith.constant 0 : i32
    %c0_i32_1 = arith.constant 0 : i32
    return %c0_i32, %c0_i32_0 : i32, i32
  }
  func.func @transform_7(%arg0: i32) -> (i32, i32) {
    %c0_i32 = arith.constant 0 : i32
    %c0_i32_0 = arith.constant 0 : i32
    %c0_i32_1 = arith.constant 0 : i32
    return %c0_i32, %c0_i32_0 : i32, i32
  }
  func.func @transform_8(%arg0: i32) -> (i32, i32) {
    %c0_i32 = arith.constant 0 : i32
    %c0_i32_0 = arith.constant 0 : i32
    %c0_i32_1 = arith.constant 0 : i32
    return %c0_i32, %c0_i32_0 : i32, i32
  }
  func.func @transform_9(%arg0: i32) -> (i32, i32) {
    %c0_i32 = arith.constant 0 : i32
    %c0_i32_0 = arith.constant 0 : i32
    %c0_i32_1 = arith.constant 0 : i32
    return %c0_i32, %c0_i32_0 : i32, i32
  }
  func.func @transform_10(%arg0: i32) -> (i32, i32) {
    %c0_i32 = arith.constant 0 : i32
    %c0_i32_0 = arith.constant 0 : i32
    %c0_i32_1 = arith.constant 0 : i32
    return %c0_i32, %c0_i32_0 : i32, i32
  }
  func.func @transform_11(%arg0: i32) -> (i32, i32) {
    %c0_i32 = arith.constant 0 : i32
    %c0_i32_0 = arith.constant 0 : i32
    %c0_i32_1 = arith.constant 0 : i32
    return %c0_i32, %c0_i32_0 : i32, i32
  }
  func.func @transform_12(%arg0: i32) -> (i32, i32) {
    %c0_i32 = arith.constant 0 : i32
    %c0_i32_0 = arith.constant 0 : i32
    %c0_i32_1 = arith.constant 0 : i32
    return %c0_i32, %c0_i32_0 : i32, i32
  }
  func.func @transform_13(%arg0: i32) -> (i32, i32) {
    %c0_i32 = arith.constant 0 : i32
    %c0_i32_0 = arith.constant 0 : i32
    %c0_i32_1 = arith.constant 0 : i32
    return %c0_i32, %c0_i32_0 : i32, i32
  }
  func.func @transform_14(%arg0: i32) -> (i32, i32) {
    %c0_i32 = arith.constant 0 : i32
    %c0_i32_0 = arith.constant 0 : i32
    %c0_i32_1 = arith.constant 0 : i32
    return %c0_i32, %c0_i32_0 : i32, i32
  }
  func.func @transform_15(%arg0: i32) -> (i32, i32) {
    %c0_i32 = arith.constant 0 : i32
    %c0_i32_0 = arith.constant 0 : i32
    %c0_i32_1 = arith.constant 0 : i32
    return %c0_i32, %c0_i32_0 : i32, i32
  }
  func.func @transform_16(%arg0: i32) -> (i32, i32) {
    %c0_i32 = arith.constant 0 : i32
    %c0_i32_0 = arith.constant 0 : i32
    %c0_i32_1 = arith.constant 0 : i32
    return %c0_i32, %c0_i32_0 : i32, i32
  }
  func.func @transform_17(%arg0: i32) -> (i32, i32) {
    %c0_i32 = arith.constant 0 : i32
    %c0_i32_0 = arith.constant 0 : i32
    %c0_i32_1 = arith.constant 0 : i32
    return %c0_i32, %c0_i32_0 : i32, i32
  }
  func.func @transform_18(%arg0: i32) -> (i32, i32) {
    %c0_i32 = arith.constant 0 : i32
    %c0_i32_0 = arith.constant 0 : i32
    %c0_i32_1 = arith.constant 0 : i32
    return %c0_i32, %c0_i32_0 : i32, i32
  }
  func.func @transform_19(%arg0: i32) -> (i32, i32) {
    %c0_i32 = arith.constant 0 : i32
    %c0_i32_0 = arith.constant 0 : i32
    %c0_i32_1 = arith.constant 0 : i32
    return %c0_i32, %c0_i32_0 : i32, i32
  }
  func.func @transform_20(%arg0: i32) -> (i32, i32) {
    %c0_i32 = arith.constant 0 : i32
    %c0_i32_0 = arith.constant 0 : i32
    %c0_i32_1 = arith.constant 0 : i32
    return %c0_i32, %c0_i32_0 : i32, i32
  }
  func.func @transform_21(%arg0: i32) -> (i32, i32, i32) {
    %c0_i32 = arith.constant 0 : i32
    %c0_i32_0 = arith.constant 0 : i32
    %c0_i32_1 = arith.constant 0 : i32
    return %arg0, %c0_i32, %c0_i32_0 : i32, i32, i32
  }
}

module attributes {stable_mosaic.version = 14 : i64} {
  func.func @_scorer_body(%arg0: i32, %arg1: memref<4x1024x768xf32, #tpu.memory_space<vmem>>, %arg2: memref<768x192xf32, #tpu.memory_space<vmem>>, %arg3: memref<1x192xf32, #tpu.memory_space<vmem>>, %arg4: memref<1x192xf32, #tpu.memory_space<vmem>>, %arg5: memref<1x1xf32, #tpu.memory_space<vmem>>, %arg6: memref<4x1x1024xf32, #tpu.memory_space<vmem>>) attributes {dimension_semantics = [#tpu.dimension_semantics<arbitrary>], iteration_bounds = array<i64: 8>, scalar_prefetch = 0 : i64, scratch_operands = 0 : i64, tpu.core_type = #tpu.core_type<tc>, window_params = [{transform_indices = @transform_0, window_bounds = array<i64: 4, 1024, 768>}, {pipeline_mode = #tpu.pipeline_mode<synchronous>, transform_indices = @transform_1, window_bounds = array<i64: 768, 192>}, {pipeline_mode = #tpu.pipeline_mode<synchronous>, transform_indices = @transform_2, window_bounds = array<i64: 1, 192>}, {pipeline_mode = #tpu.pipeline_mode<synchronous>, transform_indices = @transform_3, window_bounds = array<i64: 1, 192>}, {pipeline_mode = #tpu.pipeline_mode<synchronous>, transform_indices = @transform_4, window_bounds = array<i64: 1, 1>}, {transform_indices = @transform_5, window_bounds = array<i64: 4, 1, 1024>}]} {
    %get3A = arith.constant 0 : index
    %get3A_0 = arith.constant 0 : index
    %get3A_1 = arith.constant 0 : index
    %get3A_2 = vector.load %arg1[%get3A, %get3A_0, %get3A_1] : memref<4x1024x768xf32, #tpu.memory_space<vmem>>, vector<4x1024x768xf32>
    %reshape3A = vector.shape_cast %get3A_2 : vector<4x1024x768xf32> to vector<4096x768xf32>
    %convert_element_type3A = arith.truncf %reshape3A : vector<4096x768xf32> to vector<4096x768xbf16>
    %get3A_3 = arith.constant 0 : index
    %get3A_4 = arith.constant 0 : index
    %get3A_5 = vector.load %arg2[%get3A_3, %get3A_4] : memref<768x192xf32, #tpu.memory_space<vmem>>, vector<768x192xf32>
    %convert_element_type3A_6 = arith.truncf %get3A_5 : vector<768x192xf32> to vector<768x192xbf16>
    %dot_general3A = arith.constant dense<0.000000e+00> : vector<4096x192xf32>
    %dot_general3A_7 = tpu.matmul %convert_element_type3A, %convert_element_type3A_6, %dot_general3A {dimension_numbers = #tpu.dot_dimension_numbers<[1], [0], [0], [1], [0, 0, 1, 1], [], []>, transpose_lhs_hint = false} : vector<4096x768xbf16>, vector<768x192xbf16>, vector<4096x192xf32> -> vector<4096x192xf32>
    %get3A_8 = arith.constant 0 : index
    %get3A_9 = arith.constant 0 : index
    %get3A_10 = vector.load %arg3[%get3A_8, %get3A_9] : memref<1x192xf32, #tpu.memory_space<vmem>>, vector<1x192xf32>
    %add3A = vector.broadcast %get3A_10 : vector<1x192xf32> to vector<4096x192xf32>
    %add3A_11 = arith.addf %dot_general3A_7, %add3A : vector<4096x192xf32>
    %max3A = arith.constant 0.000000e+00 : f32
    %max3A_12 = vector.broadcast %max3A : f32 to vector<4096x192xf32>
    %max3A_13 = arith.maximumf %add3A_11, %max3A_12 : vector<4096x192xf32>
    %convert_element_type3A_14 = arith.truncf %max3A_13 : vector<4096x192xf32> to vector<4096x192xbf16>
    %convert_element_type3A_15 = arith.extf %convert_element_type3A_14 : vector<4096x192xbf16> to vector<4096x192xf32>
    %get3A_16 = arith.constant 0 : index
    %get3A_17 = arith.constant 0 : index
    %get3A_18 = vector.load %arg4[%get3A_16, %get3A_17] : memref<1x192xf32, #tpu.memory_space<vmem>>, vector<1x192xf32>
    %convert_element_type3A_19 = arith.truncf %get3A_18 : vector<1x192xf32> to vector<1x192xbf16>
    %convert_element_type3A_20 = arith.extf %convert_element_type3A_19 : vector<1x192xbf16> to vector<1x192xf32>
    %mul3A = vector.broadcast %convert_element_type3A_20 : vector<1x192xf32> to vector<4096x192xf32>
    %mul3A_21 = arith.mulf %convert_element_type3A_15, %mul3A : vector<4096x192xf32>
    %reduce_sum3A = arith.constant dense<0.000000e+00> : vector<4096xf32>
    %reduce_sum3A_22 = vector.multi_reduction <add>, %mul3A_21, %reduce_sum3A [1] : vector<4096x192xf32> to vector<4096xf32>
    %get3A_23 = arith.constant 0 : index
    %get3A_24 = arith.constant 0 : index
    %get3A_25 = vector.load %arg5[%get3A_23, %get3A_24] : memref<1x1xf32, #tpu.memory_space<vmem>>, vector<1x1xf32>
    %get3A_26 = vector.extract %get3A_25[0, 0] : f32 from vector<1x1xf32>
    %add3A_27 = vector.broadcast %get3A_26 : f32 to vector<4096xf32>
    %add3A_28 = arith.addf %reduce_sum3A_22, %add3A_27 : vector<4096xf32>
    %logistic3A = arith.negf %add3A_28 : vector<4096xf32>
    %logistic3A_29 = math.exp %logistic3A : vector<4096xf32>
    %logistic3A_30 = arith.constant 1.000000e+00 : f32
    %logistic3A_31 = vector.broadcast %logistic3A_30 : f32 to vector<4096xf32>
    %logistic3A_32 = arith.addf %logistic3A_31, %logistic3A_29 : vector<4096xf32>
    %logistic3A_33 = arith.divf %logistic3A_31, %logistic3A_32 : vector<4096xf32>
    %reshape3A_34 = vector.shape_cast %logistic3A_33 : vector<4096xf32> to vector<4x1x1024xf32>
    %swap3A = arith.constant 0 : index
    %swap3A_35 = arith.constant 0 : index
    %swap3A_36 = arith.constant 0 : index
    %swap3A_37 = vector.load %arg6[%swap3A, %swap3A_35, %swap3A_36] : memref<4x1x1024xf32, #tpu.memory_space<vmem>>, vector<4x1x1024xf32>
    tpu.vector_store %arg6[%swap3A, %swap3A_35, %swap3A_36], %reshape3A_34 {strides = array<i32>} : memref<4x1x1024xf32, #tpu.memory_space<vmem>>, vector<4x1x1024xf32>,
    return
  }
  func.func @transform_0(%arg0: i32) -> (i32, i32, i32) {
    %c0_i32 = arith.constant 0 : i32
    %c0_i32_0 = arith.constant 0 : i32
    %c0_i32_1 = arith.constant 0 : i32
    return %arg0, %c0_i32, %c0_i32_0 : i32, i32, i32
  }
  func.func @transform_1(%arg0: i32) -> (i32, i32) {
    %c0_i32 = arith.constant 0 : i32
    %c0_i32_0 = arith.constant 0 : i32
    %c0_i32_1 = arith.constant 0 : i32
    return %c0_i32, %c0_i32_0 : i32, i32
  }
  func.func @transform_2(%arg0: i32) -> (i32, i32) {
    %c0_i32 = arith.constant 0 : i32
    %c0_i32_0 = arith.constant 0 : i32
    %c0_i32_1 = arith.constant 0 : i32
    return %c0_i32, %c0_i32_0 : i32, i32
  }
  func.func @transform_3(%arg0: i32) -> (i32, i32) {
    %c0_i32 = arith.constant 0 : i32
    %c0_i32_0 = arith.constant 0 : i32
    %c0_i32_1 = arith.constant 0 : i32
    return %c0_i32, %c0_i32_0 : i32, i32
  }
  func.func @transform_4(%arg0: i32) -> (i32, i32) {
    %c0_i32 = arith.constant 0 : i32
    %c0_i32_0 = arith.constant 0 : i32
    %c0_i32_1 = arith.constant 0 : i32
    return %c0_i32, %c0_i32_0 : i32, i32
  }
  func.func @transform_5(%arg0: i32) -> (i32, i32, i32) {
    %c0_i32 = arith.constant 0 : i32
    %c0_i32_0 = arith.constant 0 : i32
    %c0_i32_1 = arith.constant 0 : i32
    return %arg0, %c0_i32, %c0_i32_0 : i32, i32, i32
  }
}

module attributes {stable_mosaic.version = 14 : i64} {
  func.func @_qpre_body(%arg0: memref<28x1536xf32, #tpu.memory_space<vmem>>, %arg1: memref<1536x768xf32, #tpu.memory_space<vmem>>, %arg2: memref<1x768xf32, #tpu.memory_space<vmem>>, %arg3: memref<768x768xf32, #tpu.memory_space<vmem>>, %arg4: memref<1x768xf32, #tpu.memory_space<vmem>>, %arg5: memref<32x768xf32, #tpu.memory_space<vmem>>) attributes {dimension_semantics = [], scalar_prefetch = 0 : i64, scratch_operands = 0 : i64, tpu.core_type = #tpu.core_type<tc>} {
    %get3A = arith.constant 0 : index
    %get3A_0 = arith.constant 0 : index
    %get3A_1 = vector.load %arg0[%get3A, %get3A_0] : memref<28x1536xf32, #tpu.memory_space<vmem>>, vector<28x1536xf32>
    %convert_element_type3A = arith.truncf %get3A_1 : vector<28x1536xf32> to vector<28x1536xbf16>
    %get3A_2 = arith.constant 0 : index
    %get3A_3 = arith.constant 0 : index
    %get3A_4 = vector.load %arg1[%get3A_2, %get3A_3] : memref<1536x768xf32, #tpu.memory_space<vmem>>, vector<1536x768xf32>
    %convert_element_type3A_5 = arith.truncf %get3A_4 : vector<1536x768xf32> to vector<1536x768xbf16>
    %dot_general3A = arith.constant dense<0.000000e+00> : vector<28x768xf32>
    %dot_general3A_6 = tpu.matmul %convert_element_type3A, %convert_element_type3A_5, %dot_general3A {dimension_numbers = #tpu.dot_dimension_numbers<[1], [0], [0], [1], [0, 0, 1, 1], [], []>, transpose_lhs_hint = false} : vector<28x1536xbf16>, vector<1536x768xbf16>, vector<28x768xf32> -> vector<28x768xf32>
    %get3A_7 = arith.constant 0 : index
    %get3A_8 = arith.constant 0 : index
    %get3A_9 = vector.load %arg2[%get3A_7, %get3A_8] : memref<1x768xf32, #tpu.memory_space<vmem>>, vector<1x768xf32>
    %add3A = vector.broadcast %get3A_9 : vector<1x768xf32> to vector<28x768xf32>
    %add3A_10 = arith.addf %dot_general3A_6, %add3A : vector<28x768xf32>
    %convert_element_type3A_11 = arith.truncf %add3A_10 : vector<28x768xf32> to vector<28x768xbf16>
    %get3A_12 = arith.constant 0 : index
    %get3A_13 = arith.constant 0 : index
    %get3A_14 = vector.load %arg3[%get3A_12, %get3A_13] : memref<768x768xf32, #tpu.memory_space<vmem>>, vector<768x768xf32>
    %convert_element_type3A_15 = arith.truncf %get3A_14 : vector<768x768xf32> to vector<768x768xbf16>
    %dot_general3A_16 = arith.constant dense<0.000000e+00> : vector<28x768xf32>
    %dot_general3A_17 = tpu.matmul %convert_element_type3A_11, %convert_element_type3A_15, %dot_general3A_16 {dimension_numbers = #tpu.dot_dimension_numbers<[1], [0], [0], [1], [0, 0, 1, 1], [], []>, transpose_lhs_hint = false} : vector<28x768xbf16>, vector<768x768xbf16>, vector<28x768xf32> -> vector<28x768xf32>
    %get3A_18 = arith.constant 0 : index
    %get3A_19 = arith.constant 0 : index
    %get3A_20 = vector.load %arg4[%get3A_18, %get3A_19] : memref<1x768xf32, #tpu.memory_space<vmem>>, vector<1x768xf32>
    %add3A_21 = vector.broadcast %get3A_20 : vector<1x768xf32> to vector<28x768xf32>
    %add3A_22 = arith.addf %dot_general3A_17, %add3A_21 : vector<28x768xf32>
    %jit3A = arith.constant 0 : i32
    %convert_element_type3A_23 = arith.sitofp %jit3A : i32 to f32
    %pad3A = vector.broadcast %convert_element_type3A_23 : f32 to vector<4x768xf32>
    %pad3A_24 = tpu.concatenate %add3A_22, %pad3A in 0 : vector<28x768xf32>, vector<4x768xf32> -> vector<32x768xf32>
    %swap3A = arith.constant 0 : index
    %swap3A_25 = arith.constant 0 : index
    %swap3A_26 = vector.load %arg5[%swap3A, %swap3A_25] : memref<32x768xf32, #tpu.memory_space<vmem>>, vector<32x768xf32>
    tpu.vector_store %arg5[%swap3A, %swap3A_25], %pad3A_24 {strides = array<i32>} : memref<32x768xf32, #tpu.memory_space<vmem>>, vector<32x768xf32>,
    return
  }
}

</mosaic_0001>

<sc_bundles>
// kernel: kernel.6.cloned.1.call-start
scs
__scs_entry_jumppad:
0x0: {  	(pc) =	sbr.rel $0x88, $3  }
0x1: {  	(tag) =	ssettag $0x0;
	lr =	simm.s32 $0x1  }
0x2: {  	[smem:$0x3F85] =	sst lr;
	_ =	strace $0xD0000000  }
0x3: {  	_ = 	snop  }
0x4: {  	_ = 	snop  }
0x5: {  	_ = 	snop  }
0x6: {  	_ = 	snop  }
0x7: {  	_ = 	snop  }
__scs_overlays_trampoline_lowered:
0x8: {  	[smem:$0x3F94] =	sst s0  }
0x9: {  	[smem:$0x3F95] =	sst s1  }
0xa: {  	[smem:$0x3F96] =	sst s2  }
0xb: {  	[smem:$0x3F97] =	sst s3  }
0xc: {  	[smem:$0x3F98] =	sst s4  }
0xd: {  	[smem:$0x3F99] =	sst s5  }
0xe: {  	[smem:$0x3F9A] =	sst s6  }
0xf: {  	[smem:$0x3F9B] =	sst s7  }
0x10: {  	[smem:$0x3F9C] =	sst s8  }
0x11: {  	[smem:$0x3F9D] =	sst s9;
	s0 =	simm.s32 @!p0 $0x0  }
0x12: {  	s1 =	sld [smem:$0x3F83];
	s0 =	simm.s32 @p0 $0x1  }
0x13: {  	[smem:$0x3F9E] =	sst s0;
	s0 =	simm.s32 @!p1 $0x0  }
0x14: {  	s2 =	sld [smem:$0x3F82];
	s0 =	simm.s32 @p1 $0x1  }
0x15: {  	[smem:$0x3F9F] =	sst s0;
	s0 =	simm.s32 @!p2 $0x0  }
0x16: {  	s3 =	sld [smem:$0x3FDB];
	s0 =	simm.s32 @p2 $0x1  }
0x17: {  	s4 =	simm.s32 $0x1BF5;
	[smem:$0x3FA1] =	sst s0  }
0x18: {  	s0 =	sld [smem:$0x3F84];
	_ =	swait.ge [sflag:s4], $0x0  }
0x19: {  	s7 =	sld [smem:$0x3F85]  }
0x1a: {  	s8 =	sadd.s32 $0xFFFFE003, lr  }
0x1b: {  	s9 =	sadd.s32 $0xFFFFFEF7, lr;
	s5 =	simm.s32 $0xFFFFFFFF;
	p2 =	slt.u32 s8, $0xFFFFF086  }
0x1c: {  	p1 =	slt.u32 s9, $0xF7A;
	s5 =	simm.s32 @!p2 $0x0  }
0x1d: {  	s5 =	simm.s32 @p1 $0x1;
	p0 =	seq.s32 s7, s2  }
0x1e: {  	s7 =	smul.u32 @!p0 $0xF7A, s2;
	p2 =	seq.s32 @!p0 s5, $0x0  }
0x1f: {  	s9 =	smul.u32 $0xF7A, s1;
	s8 =	simm.s32 @!p0 $0x1BF5;
	p2 =	por !p2, p0  }
0x20: {  	[sflag:s8] =	ssyncset.s32 @!p0 $0xFFFFF086;
	s6 =	sadd.s32 @!p0 s3, s7;
	s7 =	simm.s32 @!p0 $0x108  }
0x21: {  	s3 =	sadd.s32 s3, s9;
	s6 =	sadd.s32 @!p0 $0x88, s6;
	s7 =	simm.s32 @p2 $0x1082  }
0x22: {  	[simem:s7], [sflag:s8] =	dma.local @!p0 [hbm:s6], $0xF7A  }
0x23: {  	s9 =	sor.u32 $0xD0000000, s2;
	s6 =	simm.s32 $0x108;
	_ =	swait.ge @!p0 [sflag:s8], $0x0  }
0x24: {  	s3 =	sadd.s32 $0x88, s3;
	s6 =	simm.s32 @!p1 $0x1082;
	[sflag:s4] =	ssyncset.s32 $0xFFFFF086  }
0x25: {  	[simem:s6], [sflag:s4] =	dma.local [hbm:s3], $0xF7A  }
0x26: {  	[smem:$0x3F85] =	sst s1;
	(tag) =	ssettag s2;
	_ =	strace s9  }
0x27: {  	s1 =	sld [smem:$0x3F95]  }
0x28: {  	s2 =	sld [smem:$0x3F96]  }
0x29: {  	s4 =	sld [smem:$0x3F98]  }
0x2a: {  	p0 =	seq.s32 s5, $0x0;
	s5 =	sld [smem:$0x3F99]  }
0x2b: {  	s6 =	sld [smem:$0x3F9A]  }
0x2c: {  	s7 =	sld [smem:$0x3F9B]  }
0x2d: {  	s3 =	simm.s32 $0x108;
	s8 =	sld [smem:$0x3F9C]  }
0x2e: {  	s3 =	simm.s32 @!p0 $0x1082;
	s9 =	sld [smem:$0x3F9D]  }
0x2f: {  	lr =	sadd.s32 s0, s3;
	s0 =	sld [smem:$0x3F94]  }
0x30: {  	s3 =	sld [smem:$0x3F97]  }
0x31: {  	[smem:$0x3FA0] =	sst s10  }
0x32: {  	s10 =	sld [smem:$0x3F9E];
	_ =	sdelay $0x3  }
0x33: {  	p0 =	seq.s32 s10, $0x1;
	s10 =	sld [smem:$0x3FA0];
	_ =	sdelay $0x3  }
0x34: {  	[smem:$0x3FA0] =	sst s10  }
0x35: {  	s10 =	sld [smem:$0x3F9F];
	_ =	sdelay $0x3  }
0x36: {  	p1 =	seq.s32 s10, $0x1;
	s10 =	sld [smem:$0x3FA0];
	_ =	sdelay $0x3  }
0x37: {  	[smem:$0x3FA0] =	sst s10  }
0x38: {  	s10 =	sld [smem:$0x3FA1]  }
0x39: {  	_ = 	snop;
	(pc) =	sbr.ind lr, $3  }
0x3a: {  	_ = 	snop  }
0x3b: {  	_ = 	snop  }
0x3c: {  	p2 =	seq.s32 s10, $0x1;
	s10 =	sld [smem:$0x3FA0]  }
0x3d: {  	_ =	shalt  }
0x3e: {  	_ =	shalt  }
0x3f: {  	_ =	shalt  }
0x40: {  	_ =	shalt  }
0x41: {  	_ =	shalt  }
0x42: {  	_ =	shalt  }
0x43: {  	_ =	shalt  }
0x44: {  	_ =	shalt  }
0x45: {  	_ =	shalt  }
0x46: {  	_ =	shalt  }
0x47: {  	_ =	shalt  }
0x48: {  	_ =	shalt  }
0x49: {  	_ =	shalt  }
0x4a: {  	_ =	shalt  }
0x4b: {  	_ =	shalt  }
0x4c: {  	_ =	shalt  }
0x4d: {  	_ =	shalt  }
0x4e: {  	_ =	shalt  }
0x4f: {  	_ =	shalt  }
0x50: {  	_ =	shalt  }
0x51: {  	_ =	shalt  }
0x52: {  	_ =	shalt  }
0x53: {  	_ =	shalt  }
0x54: {  	_ =	shalt  }
0x55: {  	_ =	shalt  }
0x56: {  	_ =	shalt  }
0x57: {  	_ =	shalt  }
0x58: {  	_ =	shalt  }
0x59: {  	_ =	shalt  }
0x5a: {  	_ =	shalt  }
0x5b: {  	_ =	shalt  }
0x5c: {  	_ =	shalt  }
0x5d: {  	_ =	shalt  }
0x5e: {  	_ =	shalt  }
0x5f: {  	_ =	shalt  }
0x60: {  	_ =	shalt  }
0x61: {  	_ =	shalt  }
0x62: {  	_ =	shalt  }
0x63: {  	_ =	shalt  }
0x64: {  	_ =	shalt  }
0x65: {  	_ =	shalt  }
0x66: {  	_ =	shalt  }
0x67: {  	_ =	shalt  }
0x68: {  	_ =	shalt  }
0x69: {  	_ =	shalt  }
0x6a: {  	_ =	shalt  }
0x6b: {  	_ =	shalt  }
0x6c: {  	_ =	shalt  }
0x6d: {  	_ =	shalt  }
0x6e: {  	_ =	shalt  }
0x6f: {  	_ =	shalt  }
0x70: {  	_ =	shalt  }
0x71: {  	_ =	shalt  }
0x72: {  	_ =	shalt  }
0x73: {  	_ =	shalt  }
0x74: {  	_ =	shalt  }
0x75: {  	_ =	shalt  }
0x76: {  	_ =	shalt  }
0x77: {  	_ =	shalt  }
0x78: {  	_ =	shalt  }
0x79: {  	_ =	shalt  }
0x7a: {  	_ =	shalt  }
0x7b: {  	_ =	shalt  }
0x7c: {  	_ =	shalt  }
0x7d: {  	_ =	shalt  }
0x7e: {  	_ =	shalt  }
0x7f: {  	_ =	shalt  }
0x80: {  	_ =	shalt  }
0x81: {  	_ =	shalt  }
0x82: {  	_ =	shalt  }
0x83: {  	_ =	shalt  }
0x84: {  	_ =	shalt  }
0x85: {  	_ =	shalt  }
0x86: {  	_ =	shalt  }
0x87: {  	_ =	shalt  }
.Lfunc_end0:
.L_simem_size_0:
called_computation_lowered:
.L_overlay_start_0:
0x88: {  	s2 =	sld [smem:$0x3FD9]  }
0x89: {  	s3 =	sld [smem:$0x3FFE];
	_ =	sdelay $0x1  }
0x8a: {  	s1 =	srdreg.scid  }
0x8b: {  	s0 =	sand.u32 $0x1, s1  }
0x8c: {  	s17 =	sshll.u32 s0, $0xA;
	s2 =	sadd.s32 s3, s2  }
0x8d: {  	s2 =	sadd.s32 s2, s17  }
0x8e: {  	[smem:$0x3FAC] =	sst s2  }
0x8f: {  	_ = 	snop  }
0x90: {  	s2 =	sld [smem:$0x3FC9]  }
0x91: {  	s18 =	sld [smem:$0x3FD0];
	(tm) =	ssettm $0x1  }
0x92: {  	s4 =	sld [smem:$0x3FFB];
	_ =	sdelay $0x3  }
0x93: {  	_ =	strace s4  }
0x94: {  	s4 =	sld [smem:$0x3FFC];
	_ =	sdelay $0x3  }
0x95: {  	_ =	strace s4  }
0x96: {  	s4 =	sld [smem:$0x3FFD];
	_ =	sdelay $0x3  }
0x97: {  	_ =	strace s4  }
0x98: {  	_ =	strace $0x8FFFFFFF  }
0x99: {  	s19 =	sld [smem:$0x3FDB];
	_ =	sdelay $0x1  }
0x9a: {  	s5 =	simm.s32 $_scs_section_size  }
0x9b: {  	s6 =	simm.s32 $_size__tile_overlayer_lowered;
	s7 =	simm.s32 $_tile_overlayer_lowered  }
0x9c: {  	s22 =	simm.s32 $0x1BFF;
	s21 =	sshll.u32 s7, $0x1;
	s4 =	sadd.s32 s5, s19  }
0x9d: {  	s8 =	simm.s32 $0x0;
	s20 =	sshll.u32 s6, $0x1;
	s6 =	sadd.s32 s21, s4  }
0x9e: {  	[timem:s8], [sflag:s22] =	dma.local [hbm:s6], s20  }
0x9f: {  	_ =	swait.ge [sflag:s22], s20  }
0xa0: {  	s5 =	ssub.s32 $0x0, s20;
	[sflag:s22] =	ssyncset.done $0x0  }
0xa1: {  	[sflag:s22] =	ssyncadd.s32 s5;
	_ =	sdelay $0x1  }
0xa2: {  	s23 =	simm.s32 $0x1B8B  }
0xa3: {  	_ =	swait.ge [sflag:s23], $0x1  }
0xa4: {  	[sflag:s23] =	ssyncset.done $0x0  }
0xa5: {  	s25 =	simm.s32 $0x1B8E;
	s24 =	sld [smem:$0x3FFE];
	[sflag:s23] =	ssyncadd.s32 $0xFFFFFFFF  }
0xa6: {  	s26 =	simm.s32 $execute0_lowered;
	[smem:$0x3FD2] =	sst s25  }
0xa7: {  	s6 =	sshll.u32 s26, $0x1;
	_ =	strace $0x80000046;
	[dreg:$0x1] =	wrdreg $0xFFFFFFFF  }
0xa8: {  	s28 =	simm.s32 $_size_execute0_lowered;
	s4 =	sadd.s32 s4, s6;
	[dreg:$0x0] =	wrdreg $0x0  }
0xa9: {  	s6 =	sshll.u32 s28, $0x1;
	[dreg:$0x2] =	wrdreg s4  }
0xaa: {  	[dreg:$0x3] =	wrdreg s6  }
0xab: {  	[dreg:$0x4] =	wrdreg $0xC0  }
0xac: {  	_ =	task [dreg:s8], $0x5FFFF  }
0xad: {  	[dreg:$0x1] =	wrdreg $0xFFFFFFFF  }
0xae: {  	[dreg:$0x0] =	wrdreg $0x60  }
0xaf: {  	[dreg:$0x2] =	wrdreg s24  }
0xb0: {  	[dreg:$0x3] =	wrdreg s2  }
0xb1: {  	[dreg:$0x4] =	wrdreg s18  }
0xb2: {  	[dreg:$0x5] =	wrdreg $0x9  }
0xb3: {  	_ =	task.clear_ibuf [dreg:s8], $0x6FFFF;
	_ =	strace $0x90000046  }
0xb4: {  	s29 =	simm.s32 $0x9;
	_ =	strace $0x80000048  }
0xb5: {  	_ =	swait.ge [sflag:s29], $0x1  }
0xb6: {  	[sflag:s29] =	ssyncadd.s32 $0xFFFFFFFF  }
0xb7: {  	_ =	strace $0x90000048  }
0xb8: {  	_ =	sfence  }
0xb9: {  	s30 =	sld [smem:$0x0];
	_ =	sdelay $0x2  }
0xba: {  	s31 =	sshll.u32 s1, $0xD;
	s1 =	sshrl.u32 s1, $0x2  }
0xbb: {  	s3 =	sand.u32 $0x4000, s31;
	s1 =	sadd.s32 s1, s30  }
0xbc: {  	s0 =	sor.u32 s3, s0;
	s1 =	sshll.u32 s1, $0x11  }
0xbd: {  	s0 =	sor.u32 s1, s0  }
0xbe: {  	s0 =	sadd.s32 $0x8F2B, s0  }
0xbf: {  	[sflag:s0] =	ssyncadd.remote.s32 $0x1  }
0xc0: {  	_ =	sfence.sel $0xFFFF  }
0xc1: {  	[dreg:$0x0] =	wrdreg $0xFFFFFFFF;
	(pc) =	sbr.abs _section_cstart, $3  }
0xc2: {  	[dreg:$0x1] =	wrdreg $0xFFFFFFFF  }
0xc3: {  	_ =	task.clear_ibuf [dreg:s8], $0x2FFFF;
	_ =	strace $0x9FFFFFFF  }
0xc4: {  	(tm) =	ssettm $0x7FFFFFFF  }
0xc5: {  	_ =	shalt  }
tec
execute0_lowered:
.L_overlay_start_1:
0x0: {  	(tag) =	ssettag $0x1  }
0x1: {  	s0 =	rddreg [dreg:$0x0];
	s1 =	srdreg.scid  }
0x2: {  	s4 =	stileid.u32;
	s2 =	rddreg [dreg:$0x1]  }
0x3: {  	s8 =	rddreg [dreg:$0x2];
	s12 =	simm.s32 $0x2;
	s13 =	simm.s32 $0x1  }
0x4: {  	s14 =	simm.s32 $0x800;
	s15 =	simm.s32 $0x980;
	s30 =	simm.s32 $0x7980  }
0x5: {  	s31 =	simm.s32 $0x8180;
	s11 =	simm.s32 $0xA180;
	s16 =	simm.s32 $0xA980  }
0x6: {  	s17 =	simm.s32 $0xB180;
	s18 =	simm.s32 $0xB980;
	s19 =	simm.s32 $0xC180  }
0x7: {  	s20 =	simm.s32 $0x900;
	s1 =	sand.u32 $0x1, s1;
	s3 =	sshll.u32 s4, $0x1  }
0x8: {  	s21 =	simm.s32 $0x0;
	s6 =	sshrl.u32 s4, $0x2;
	s5 =	sor.u32 s1, s3  }
0x9: {  	s3 =	simm.s32 $0x0;
	s25 =	sshll.u32 s6, $0xD;
	s1 =	ssub.s32 $0x2, s1  }
0xa: {  	s6 =	sshll.u32 s6, $0xA;
	s24 =	sshll.u32 s5, $0x7;
	[smem:$0x7FF] =	sst s3  }
0xb: {  	s9 =	smul.u32 $0x1800, s5;
	s26 =	sshrl.u32 s1, $0x1;
	s10 =	sshll.u32 s5, $0xA  }
0xc: {  	s5 =	sadd.s32 $0x100, s2;
	s7 =	sand.u32 $0x380, s24;
	_ =	strace $0x80000047  }
0xd: {  	s1 =	ssub.s32 s1, s26;
	v0 =	vmov s10;
	s10 =	simm.s32 $0x9980;
	s4 =	sor.u32 s25, s7  }
0xe: {  	s28 =	sor.u32 s6, s7;
	s6 =	sadd.s32 $0x200, s2;
	s4 =	sshrl.u32 s4, $0x3  }
0xf: {  	v1 =	vlaneseq.u32;
	s29 =	sshrl.u32 s28, $0x3;
	s4 =	sadd.s32 s4, s0;
	s0 =	sadd.s32 s9, s0  }
0x10: {  	v2 =	vimm.s32 $0x0;
	vm0 =	vmmov $0xffff;
	v4 =	vshrl.u32 v1, $0x3;
	s8 =	sadd.s32 s8, s29;
	s9 =	smax.u32 s1, $0x1;
	s1 =	simm.s32 $0x8980  }
0x11: {  	v3 =	vand.u32 $0x7, v1;
	v5 =	vor.u32 $0x8, v1;
	v4 =	vmul.u32 $0x8, v4;
	s4 =	sadd.s32 $0x4200, s4;
	s7 =	sadd.s32 $0x5200, s0;
	s0 =	simm.s32 $0x9180  }
.LBB2_1:
0x12: {  	s22 =	simm.s32 $0x80;
	s23 =	simm.s32 $0x400;
	p0 =	por $0x0, $0x0  }
0x13: {  	[tilespmem:s3], [sflag:$0x2] =	stream.strided.gather [hbm4b:s4+s22], $0x400, s23, s22, $0x38;
	[tilespmem:$0xC980] =	vst v63  }
.Ltmp0:
0x14: {  	_ = 	snop;
	(pc) =	sbr.rel @p0 .LBB2_3-.Ltmp0, $4  }
0x15: {  	_ =	swait.ge [sflag:s12], $0x400  }
0x16: {  	[sflag:s12] =	ssyncset.done $0x0  }
0x17: {  	s22 =	simm.s32 $0x0;
	[sflag:s12] =	ssyncadd.s32 $0xFFFFFC00  }
0x18: {  	s23 =	simm.s32 $0x40;
	v6 =	vld [tilespmem:s22+$0x0]  }
.LBB2_2:
0x19: {  	p0 =	seq.s32 s23, $0xFC0  }
.Ltmp1:
0x1a: {  	_ = 	snop;
	(pc) =	sbr.rel @!p0 .LBB2_2-.Ltmp1, $3  }
0x1b: {  	_ =	sdelay $0x1  }
0x1c: {  	[tilespmem:s22+$0x400] =	vst v6;
	s22 =	sshra.s32 s23, $0x2;
	s23 =	sadd.s32 $0x40, s23  }
0x1d: {  	v6 =	vld [tilespmem:s22+$0x0]  }
.LBB2_3:
0x1e: {  	_ =	sdelay $0x3  }
0x1f: {  	s24 =	simm.s32 $0x0;
	s23 =	simm.s32 $0x0;
	[tilespmem:s22+$0x400] =	vst v6;
	s22 =	simm.s32 $0x40000000  }
.LBB2_4:
0x20: {  	s25 =	ssub.s32 s22, s24;
	p0 =	sne.s32 s22, s24;
	s26 =	simm.s32 $0x1  }
0x21: {  	s28 =	sshra.s32 s25, $0x1F;
	s26 =	simm.s32 @!p0 $0x0  }
0x22: {  	s26 =	sor.u32 s26, s28;
	s28 =	sand.u32 $0x1, s25  }
0x23: {  	s29 =	sshrl.u32 s25, $0x1F;
	p6 =	sne.s32 s26, $0x1;
	p1 =	seq.s32 s28, $0x1  }
0x24: {  	s25 =	sadd.s32 s29, s25;
	p0 =	por !p6, !p1  }
0x25: {  	s25 =	sshra.s32 s25, $0x1;
	s26 =	simm.s32 $0x1;
	p0 =	por !p0, !p0  }
0x26: {  	s29 =	simm.s32 $0x0;
	s25 =	sadd.s32 s24, s25;
	s26 =	simm.s32 @!p0 $0x0  }
0x27: {  	v8 =	vld [tilespmem:s29+$0x400];
	s25 =	ssub.s32 s25, s26  }
0x28: {  	v6 =	vimm.s32 $0x0;
	s26 =	simm.s32 $0x40;
	v7 =	vmov s25  }
.LBB2_5:
0x29: {  	p0 =	sne.s32 s26, $0xFC0  }
.Ltmp2:
0x2a: {  	_ = 	snop;
	(pc) =	sbr.rel @p0 .LBB2_5-.Ltmp2, $4  }
0x2b: {  	_ = 	snop  }
0x2c: {  	s28 =	sshra.s32 s26, $0x2;
	s26 =	sadd.s32 $0x40, s26;
	vm1 =	vgt.s32 v8, v7  }
0x2d: {  	v8 =	vld [tilespmem:s28+$0x400];
	v9 =	vsel vm1, $0x1, v2  }
0x2e: {  	v6 =	vadd.s32 v9, v6  }
0x2f: {  	_ =	sdelay $0x2  }
0x30: {  	vm1 =	vgt.s32 v8, v7  }
0x31: {  	v7 =	vsel vm1, $0x1, v2  }
0x32: {  	v6 =	vadd.s32 v7, v6  }
0x33: {  	(xrf0) =	vadd.scan.msk.s32 $0xffff, v6;
	_ =	sdelay $0x5  }
0x34: {  	v6, _, _ =	vpop (xrf0)  }
0x35: {  	(v2sf) =	vpush v6, $0xF;
	_ =	sdelay $0xb  }
0x36: {  	s23 =	sadd.s32 $0x1, s23  }
0x37: {  	p1 =	seq.s32 s23, $0x1F  }
.Ltmp3:
0x38: {  	_ = 	snop;
	(pc) =	sbr.rel @!p1 .LBB2_4-.Ltmp3, $4  }
0x39: {  	s26 =	spop (v2sf)  }
0x3a: {  	p0 =	slt.s32 s26, $0x40;
	s26 =	sadd.s32 $0x1, s25  }
0x3b: {  	s26 =	smov.u32 @p0 s24  }
0x3c: {  	s22 =	smov.u32 @p0 s25;
	s24 =	smov.u32 s26  }
0x3d: {  	s23 =	simm.s32 $0x0  }
0x3e: {  	v8 =	vld [tilespmem:s23+$0x400]  }
0x3f: {  	v6 =	vmov s26;
	v7 =	vimm.s32 $0x0;
	s22 =	simm.s32 $0x40  }
.LBB2_8:
0x40: {  	p0 =	sne.s32 s22, $0xFC0  }
.Ltmp4:
0x41: {  	_ = 	snop;
	(pc) =	sbr.rel @p0 .LBB2_8-.Ltmp4, $4  }
0x42: {  	_ = 	snop  }
0x43: {  	s23 =	sshra.s32 s22, $0x2;
	s22 =	sadd.s32 $0x40, s22;
	vm1 =	vgt.s32 v8, v6  }
0x44: {  	v8 =	vld [tilespmem:s23+$0x400];
	v9 =	vsel vm1, $0x1, v2  }
0x45: {  	v7 =	vadd.s32 v9, v7  }
0x46: {  	_ =	sdelay $0x2  }
0x47: {  	vm1 =	vgt.s32 v8, v6  }
0x48: {  	v8 =	vsel vm1, $0x1, v2  }
0x49: {  	v7 =	vadd.s32 v8, v7  }
0x4a: {  	(xrf0) =	vadd.scan.msk.s32 $0xffff, v7;
	_ =	sdelay $0x5  }
0x4b: {  	v7, _, _ =	vpop (xrf0)  }
0x4c: {  	s22 =	simm.s32 $0x400;
	(v2sf) =	vpush v7, $0xF  }
0x4d: {  	v8 =	vld [tilespmem:s22+$0x0];
	_ =	sdelay $0x4  }
0x4e: {  	vm1 =	veq.s32 v8, v6  }
0x4f: {  	v7 =	vsel vm1, $0x1, v2  }
0x50: {  	(xrf0) =	vadd.scan.msk.s32 $0xffff, v7;
	_ =	sdelay $0x4  }
0x51: {  	s22 =	simm.s32 $0x0  }
0x52: {  	v7 =	vmov s22;
	v10, _, _ =	vpop (xrf0)  }
0x53: {  	v7 =	vadd.s32 $0xFFFFFFFF, v7;
	s23 =	spop (v2sf);
	(v2sf) =	vpush v10, $0xF  }
0x54: {  	v9 =	vbroadcast v7, $0x0  }
0x55: {  	s23 =	ssub.s32 $0x40, s23  }
0x56: {  	v11 =	vadd.s32 v10, v9;
	v7 =	vmov s23  }
0x57: {  	vm2 =	vlt.s32 v11, v7  }
0x58: {  	vm3 =	vgt.s32 v8, v6;
	vm1 =	vmand vm1, vm2  }
0x59: {  	vm1 =	vmor vm3, vm1  }
0x5a: {  	v8 =	vsel vm1, $0x1, v2  }
0x5b: {  	(xrf0) =	vadd.scan.msk.s32 $0xffff, v8;
	_ =	sdelay $0x5  }
0x5c: {  	v8, _, _ =	vpop (xrf0)  }
0x5d: {  	v9 =	vadd.s32 v8, v9;
	s24 =	spop (v2sf);
	(v2sf) =	vpush v8, $0xF;
	_ =	sdelay $0x3  }
0x5e: {  	v10 =	vor.u32 s22, v1  }
0x5f: {  	s25 =	simm.s32 $0x410;
	[tilespmem:v9+s14+$0x0] =	vst.idx.msk vm1, v10  }
0x60: {  	s26 =	simm.s32 $0x20;
	s23 =	simm.s32 $0x10;
	s24 =	sadd.s32 $0x0, s24;
	v8 =	vld [tilespmem:s25+$0x0]  }
.LBB2_10:
0x61: {  	p0 =	sne.s32 s26, $0x3F0;
	_ =	sdelay $0x3  }
0x62: {  	vm1 =	vgt.s32 v8, v6;
	vm2 =	veq.s32 v8, v6  }
0x63: {  	v8 =	vsel vm2, $0x1, v2  }
0x64: {  	(xrf0) =	vadd.scan.msk.s32 $0xffff, v8;
	_ =	sdelay $0x1  }
0x65: {  	s28 =	spop (v2sf)  }
0x66: {  	v8 =	vmov s24;
	s22 =	sadd.s32 s22, s28  }
0x67: {  	v8 =	vadd.s32 $0xFFFFFFFF, v8;
	v9 =	vmov s22  }
0x68: {  	v8 =	vbroadcast v8, $0x0;
	v9 =	vadd.s32 $0xFFFFFFFF, v9  }
0x69: {  	v9 =	vbroadcast v9, $0x0;
	v10, _, _ =	vpop (xrf0)  }
0x6a: {  	v8 =	vadd.s32 v10, v8;
	(v2sf) =	vpush v10, $0xF  }
0x6b: {  	vm3 =	vlt.s32 v8, v7  }
0x6c: {  	vm2 =	vmand vm2, vm3  }
0x6d: {  	vm1 =	vmor vm1, vm2  }
0x6e: {  	v8 =	vsel vm1, $0x1, v2  }
0x6f: {  	(xrf0) =	vadd.scan.msk.s32 $0xffff, v8;
	_ =	sdelay $0x5  }
0x70: {  	v8, _, _ =	vpop (xrf0)  }
0x71: {  	v9 =	vadd.s32 v8, v9;
	(v2sf) =	vpush v8, $0xF;
	_ =	sdelay $0x1  }
.Ltmp5:
0x72: {  	(pc) =	sbr.rel @p0 .LBB2_10-.Ltmp5, $4  }
0x73: {  	s28 =	spop (v2sf)  }
0x74: {  	v8 =	vor.u32 s23, v1;
	s23 =	smov.u32 s26;
	s24 =	sadd.s32 s24, s28  }
0x75: {  	s25 =	sadd.s32 $0x10, s25;
	[tilespmem:v9+s14+$0x0] =	vst.idx.msk vm1, v8  }
0x76: {  	s26 =	sadd.s32 $0x10, s26;
	v8 =	vld [tilespmem:s25+$0x0]  }
0x77: {  	_ =	sdelay $0x3  }
0x78: {  	vm1 =	veq.s32 v8, v6  }
0x79: {  	v9 =	vsel vm1, $0x1, v2  }
0x7a: {  	(xrf0) =	vadd.scan.msk.s32 $0xffff, v9;
	_ =	sdelay $0x2  }
0x7b: {  	v54 =	vmov s24  }
0x7c: {  	v9 =	vadd.s32 $0xFFFFFFFF, v54  }
0x7d: {  	v9 =	vbroadcast v9, $0x0  }
0x7e: {  	v10, _, _ =	vpop (xrf0)  }
0x7f: {  	v9 =	vadd.s32 v10, v9  }
0x80: {  	vm2 =	vlt.s32 v9, v7  }
0x81: {  	vm3 =	vgt.s32 v8, v6;
	vm1 =	vmand vm1, vm2  }
0x82: {  	vm1 =	vmor vm3, vm1  }
0x83: {  	v6 =	vsel vm1, $0x1, v2  }
0x84: {  	(xrf0) =	vadd.scan.msk.s32 $0xffff, v6  }
0x85: {  	s25 =	spop (v2sf)  }
0x86: {  	s22 =	sadd.s32 s22, s25  }
0x87: {  	v6 =	vmov s22  }
0x88: {  	v6 =	vadd.s32 $0xFFFFFFFF, v6  }
0x89: {  	v6 =	vbroadcast v6, $0x0  }
0x8a: {  	v7, _, _ =	vpop (xrf0)  }
0x8b: {  	v6 =	vadd.s32 v7, v6;
	_ =	sdelay $0x3  }
0x8c: {  	v55 =	vor.u32 s23, v1  }
0x8d: {  	[tilespmem:v6+s14+$0x0] =	vst.idx.msk vm1, v55  }
0x8e: {  	v6 =	vld [tilespmem:$0x800];
	_ =	sdelay $0x5  }
0x8f: {  	v8 =	vld [tilespmem:$0x810];
	_ =	sdelay $0x1  }
0x90: {  	v56 =	vld.idx.msk [tilespmem:v6+s3+$0x0], $0xffff;
	_ =	sdelay $0x2  }
0x91: {  	v6 =	vadd.s32 v0, v6  }
0x92: {  	[tilespmem:$0x880] =	vst v6;
	v6 =	vld [tilespmem:$0x820]  }
0x93: {  	[tilespmem:$0x900] =	vst v56  }
0x94: {  	v9 =	vld.idx.msk [tilespmem:v8+s3+$0x0], $0xffff;
	_ =	sdelay $0x1  }
0x95: {  	v57 =	vld [tilespmem:$0x880]  }
0x96: {  	v8 =	vadd.s32 v0, v8  }
0x97: {  	v58 =	vld [tilespmem:$0x830];
	[tilespmem:$0x890] =	vst v8  }
0x98: {  	[tilespmem:$0x910] =	vst v9  }
0x99: {  	v11 =	vld.idx.msk [tilespmem:v6+s3+$0x0], $0xffff  }
0x9a: {  	v12 =	vshrl.u32 v57, $0x3  }
0x9b: {  	v12 =	vmul.u32 $0x30, v12  }
0x9c: {  	v9 =	vand.u32 $0x7, v57;
	v6 =	vadd.s32 v0, v6  }
0x9d: {  	[tilespmem:$0x8A0] =	vst v6;
	v6 =	vor.u32 v9, v12  }
0x9e: {  	v60 =	vperm.xlane v6, v3;
	[tilespmem:$0x920] =	vst v11  }
0x9f: {  	v59 =	vld.idx.msk [tilespmem:v58+s3+$0x0], $0xffff  }
0xa0: {  	v11 =	vadd.s32 v4, v60;
	_ =	sdelay $0x1  }
0xa1: {  	v8 =	vadd.s32 v0, v58  }
0xa2: {  	[tilespmem:$0x8B0] =	vst v8  }
0xa3: {  	v6 =	vperm.xlane v6, v5;
	[tilespmem:$0x930] =	vst v59  }
0xa4: {  	[tilespmem:s15], [sflag:$0x1] =	stream.indirect_vreg.gather [hbm4b:s2+s3], $0x80, v11, vm0, $0xb8;
	[tilespmem:$0xC980] =	vst v63  }
0xa5: {  	s26 =	simm.s32 $0x1180;
	v6 =	vadd.s32 v4, v6  }
0xa6: {  	[tilespmem:s26], [sflag:$0x1] =	stream.indirect_vreg.gather [hbm4b:s5+s3], $0x80, v11, vm0, $0xb8;
	[tilespmem:$0xC980] =	vst v63  }
0xa7: {  	s28 =	simm.s32 $0x1980  }
0xa8: {  	[tilespmem:s28], [sflag:$0x1] =	stream.indirect_vreg.gather [hbm4b:s6+s3], $0x80, v11, vm0, $0xb8;
	[tilespmem:$0xC980] =	vst v63  }
0xa9: {  	s29 =	simm.s32 $0x2180  }
0xaa: {  	[tilespmem:s29], [sflag:$0x1] =	stream.indirect_vreg.gather [hbm4b:s2+s3], $0x80, v6, vm0, $0xb8;
	[tilespmem:$0xC980] =	vst v63  }
0xab: {  	s23 =	simm.s32 $0x2980  }
0xac: {  	[tilespmem:s23], [sflag:$0x1] =	stream.indirect_vreg.gather [hbm4b:s5+s3], $0x80, v6, vm0, $0xb8;
	[tilespmem:$0xC980] =	vst v63  }
0xad: {  	s24 =	simm.s32 $0x3180  }
0xae: {  	[tilespmem:s24], [sflag:$0x1] =	stream.indirect_vreg.gather [hbm4b:s6+s3], $0x80, v6, vm0, $0xb8;
	[tilespmem:$0xC980] =	vst v63  }
0xaf: {  	v6 =	vld [tilespmem:$0x890];
	_ =	sdelay $0x4  }
0xb0: {  	v61 =	vshrl.u32 v6, $0x3  }
0xb1: {  	v8 =	vmul.u32 $0x30, v61  }
0xb2: {  	v6 =	vand.u32 $0x7, v6  }
0xb3: {  	v6 =	vor.u32 v6, v8  }
0xb4: {  	v8 =	vperm.xlane v6, v3;
	_ =	sdelay $0x1  }
0xb5: {  	v8 =	vadd.s32 v4, v8;
	_ =	sdelay $0x3  }
0xb6: {  	s25 =	simm.s32 $0x3980;
	v6 =	vperm.xlane v6, v5  }
0xb7: {  	[tilespmem:s25], [sflag:$0x1] =	stream.indirect_vreg.gather [hbm4b:s2+s3], $0x80, v8, vm0, $0xb8;
	[tilespmem:$0xC980] =	vst v63  }
0xb8: {  	s26 =	simm.s32 $0x4180;
	v6 =	vadd.s32 v4, v6  }
0xb9: {  	[tilespmem:s26], [sflag:$0x1] =	stream.indirect_vreg.gather [hbm4b:s5+s3], $0x80, v8, vm0, $0xb8;
	[tilespmem:$0xC980] =	vst v63  }
0xba: {  	s28 =	simm.s32 $0x4980  }
0xbb: {  	[tilespmem:s28], [sflag:$0x1] =	stream.indirect_vreg.gather [hbm4b:s6+s3], $0x80, v8, vm0, $0xb8;
	[tilespmem:$0xC980] =	vst v63  }
0xbc: {  	s29 =	simm.s32 $0x5180  }
0xbd: {  	[tilespmem:s29], [sflag:$0x1] =	stream.indirect_vreg.gather [hbm4b:s2+s3], $0x80, v6, vm0, $0xb8;
	[tilespmem:$0xC980] =	vst v63  }
0xbe: {  	s23 =	simm.s32 $0x5980  }
0xbf: {  	[tilespmem:s23], [sflag:$0x1] =	stream.indirect_vreg.gather [hbm4b:s5+s3], $0x80, v6, vm0, $0xb8;
	[tilespmem:$0xC980] =	vst v63  }
0xc0: {  	s24 =	simm.s32 $0x6180  }
0xc1: {  	[tilespmem:s24], [sflag:$0x1] =	stream.indirect_vreg.gather [hbm4b:s6+s3], $0x80, v6, vm0, $0xb8;
	[tilespmem:$0xC980] =	vst v63  }
0xc2: {  	v6 =	vld [tilespmem:$0x8A0];
	_ =	sdelay $0x4  }
0xc3: {  	v62 =	vshrl.u32 v6, $0x3  }
0xc4: {  	v8 =	vmul.u32 $0x30, v62  }
0xc5: {  	v6 =	vand.u32 $0x7, v6  }
0xc6: {  	v6 =	vor.u32 v6, v8  }
0xc7: {  	v8 =	vperm.xlane v6, v3;
	_ =	sdelay $0x1  }
0xc8: {  	v8 =	vadd.s32 v4, v8;
	_ =	sdelay $0x3  }
0xc9: {  	s25 =	simm.s32 $0x6980;
	v6 =	vperm.xlane v6, v5  }
0xca: {  	[tilespmem:s25], [sflag:$0x1] =	stream.indirect_vreg.gather [hbm4b:s2+s3], $0x80, v8, vm0, $0xb8;
	[tilespmem:$0xC980] =	vst v63  }
0xcb: {  	s26 =	simm.s32 $0x7180;
	v6 =	vadd.s32 v4, v6  }
0xcc: {  	[tilespmem:s26], [sflag:$0x1] =	stream.indirect_vreg.gather [hbm4b:s5+s3], $0x80, v8, vm0, $0xb8;
	[tilespmem:$0xC980] =	vst v63  }
0xcd: {  	_ = 	snop  }
0xce: {  	[tilespmem:s30], [sflag:$0x1] =	stream.indirect_vreg.gather [hbm4b:s6+s3], $0x80, v8, vm0, $0xb8;
	[tilespmem:$0xC980] =	vst v63  }
0xcf: {  	_ = 	snop  }
0xd0: {  	[tilespmem:s31], [sflag:$0x1] =	stream.indirect_vreg.gather [hbm4b:s2+s3], $0x80, v6, vm0, $0xb8;
	[tilespmem:$0xC980] =	vst v63  }
0xd1: {  	_ = 	snop  }
0xd2: {  	[tilespmem:s1], [sflag:$0x1] =	stream.indirect_vreg.gather [hbm4b:s5+s3], $0x80, v6, vm0, $0xb8;
	[tilespmem:$0xC980] =	vst v63  }
0xd3: {  	_ = 	snop  }
0xd4: {  	[tilespmem:s0], [sflag:$0x1] =	stream.indirect_vreg.gather [hbm4b:s6+s3], $0x80, v6, vm0, $0xb8;
	[tilespmem:$0xC980] =	vst v63  }
0xd5: {  	v6 =	vld [tilespmem:$0x8B0];
	_ =	sdelay $0x4  }
0xd6: {  	v63 =	vshrl.u32 v6, $0x3  }
0xd7: {  	v8 =	vmul.u32 $0x30, v63  }
0xd8: {  	v6 =	vand.u32 $0x7, v6  }
0xd9: {  	(v2sf) =	vpush v10, $0xF;
	v6 =	vor.u32 v6, v8  }
0xda: {  	v8 =	vperm.xlane v6, v3  }
0xdb: {  	(v2sf) =	vpush v7, $0xF  }
0xdc: {  	v7 =	vadd.s32 v4, v8;
	_ =	sdelay $0x3  }
0xdd: {  	v6 =	vperm.xlane v6, v5  }
0xde: {  	[tilespmem:s10], [sflag:$0x1] =	stream.indirect_vreg.gather [hbm4b:s2+s3], $0x80, v7, vm0, $0xb8;
	[tilespmem:$0xC980] =	vst v63  }
0xdf: {  	v6 =	vadd.s32 v4, v6  }
0xe0: {  	[tilespmem:s11], [sflag:$0x1] =	stream.indirect_vreg.gather [hbm4b:s5+s3], $0x80, v7, vm0, $0xb8;
	[tilespmem:$0xC980] =	vst v63  }
0xe1: {  	_ = 	snop  }
0xe2: {  	[tilespmem:s16], [sflag:$0x1] =	stream.indirect_vreg.gather [hbm4b:s6+s3], $0x80, v7, vm0, $0xb8;
	[tilespmem:$0xC980] =	vst v63  }
0xe3: {  	_ = 	snop  }
0xe4: {  	[tilespmem:s17], [sflag:$0x1] =	stream.indirect_vreg.gather [hbm4b:s2+s3], $0x80, v6, vm0, $0xb8;
	[tilespmem:$0xC980] =	vst v63  }
0xe5: {  	s28 =	spop (v2sf)  }
0xe6: {  	[tilespmem:s18], [sflag:$0x1] =	stream.indirect_vreg.gather [hbm4b:s5+s3], $0x80, v6, vm0, $0xb8;
	[tilespmem:$0xC980] =	vst v63  }
0xe7: {  	s29 =	spop (v2sf)  }
0xe8: {  	[tilespmem:s19], [sflag:$0x1] =	stream.indirect_vreg.gather [hbm4b:s6+s3], $0x80, v6, vm0, $0xb8;
	[tilespmem:$0xC980] =	vst v63  }
0xe9: {  	_ =	swait.ge [sflag:s13], $0xC000  }
0xea: {  	[sflag:s13] =	ssyncset.done $0x0  }
0xeb: {  	[sflag:s13] =	ssyncadd.s32 $0xFFFF4000  }
0xec: {  	[hbm4b:s7+s3] =	stream.linear.scatter [tilespmem:s15], [sflag:$0x2], $0xC000, $0x38;
	[tilespmem:$0xC980] =	vst v63  }
0xed: {  	s21 =	sadd.s32 $0x1, s21;
	_ =	swait.ge [sflag:s12], $0xC000  }
0xee: {  	p0 =	sne.s32 s21, s9;
	[sflag:s12] =	ssyncset.done $0x0  }
.Ltmp6:
0xef: {  	[sflag:s12] =	ssyncadd.s32 $0xFFFF4000;
	(pc) =	sbr.rel @p0 .LBB2_1-.Ltmp6, $4  }
0xf0: {  	[hbm4b:s8+s3] =	stream.linear.scatter [tilespmem:s20], [sflag:$0x2], $0x80, $0x38;
	[tilespmem:$0xC980] =	vst v63  }
0xf1: {  	_ =	swait.ge [sflag:s12], $0x80  }
0xf2: {  	[sflag:s12] =	ssyncset.done $0x0  }
0xf3: {  	[sflag:s12] =	ssyncadd.s32 $0xFFFFFF80  }
0xf4: {  	_ =	sfence.sel $0x180000  }
0xf5: {  	[bflag:$0x0] =	sbarrier.arrive $0xFFFF  }
0xf6: {  	_ =	strace $0x90000047  }
0xf7: {  	s0 =	stileid.u32;
	[bflag:$0x2] =	sbarrier.arrive $0xFFFF  }
0xf8: {  	p0 =	sne.s32 s0, $0x0;
	s0 =	rddreg [dreg:$0x3]  }
0xf9: {  	s0 =	sadd.s32 @!p0 $0x100000, s0  }
0xfa: {  	[sflag:s0] =	ssyncadd.tile.s32 @!p0 $0x1;
	_ =	shalt  }
.Lfunc_end2:
_tile_overlayer_lowered:
.L_overlay_start_2:
0xfb: {  	(tag) =	ssettag $0x2  }
0xfc: {  	s0 =	rddreg [dreg:$0x0];
	s2 =	stileid.u32  }
0xfd: {  	s1 =	rddreg [dreg:$0x1];
	p0 =	sne.s32 s2, $0x0  }
0xfe: {  	s3 =	rddreg [dreg:$0x2];
	[bflag:$0x3] =	sbarrier.arrive $0xFFFF;
	s2 =	simm.s32 @!p0 $0x1C02  }
0xff: {  	[timem:s3], [sflag:s2] =	dma.local @!p0 [hbm:s0], s1  }
0x100: {  	s0 =	simm.s32 @!p0 $0x2  }
0x101: {  	_ =	swait.ge @!p0 [sflag:s0], s1  }
0x102: {  	s1 =	ssub.s32 @!p0 $0x0, s1;
	[sflag:s0] =	ssyncset.done @!p0 $0x0  }
0x103: {  	[sflag:s0] =	ssyncadd.s32 @!p0 s1  }
0x104: {  	[bflag:$0x3] =	sbarrier.arrive $0xFFFF  }
0x105: {  	_ =	shalt  }

</sc_bundles>
